<compile_context>
chip_gen: v7x
topology: tpu7x:2x2x1
jax: 0.10.2.dev20260603
libtpu: 0.0.44.dev20260713+nightly
codegen_flags: <defaults>
</compile_context>

<pallas_src>
import functools

import jax
import jax.numpy as jnp
from jax import lax
from jax.experimental import pallas as pl
from jax.experimental.pallas import tpu as pltpu
from jax.experimental.pallas import tpu_sc as plsc

_NUM_CLASSES = 1000
_HIDDEN = 128
_NC = 2
_NS = 16


@functools.lru_cache(maxsize=None)
def _make_gather(B: int, D: int, V: int):
    NW = _NC * _NS
    assert B % NW == 0
    b_per_w = B // NW
    mesh = plsc.VectorSubcoreMesh(core_axis_name="c", subcore_axis_name="s")

    NCH = 8
    assert b_per_w % NCH == 0
    chsz = b_per_w // NCH
    chunks = [(c * chsz, chsz) for c in range(NCH)]

    @functools.partial(
        pl.kernel,
        mesh=mesh,
        out_type=jax.ShapeDtypeStruct((B, D), jnp.float32),
        scratch_types=[
            pltpu.VMEM((b_per_w,), jnp.int32),
            pltpu.VMEM((b_per_w, D), jnp.float32),
            pltpu.VMEM_SHARED((V, D), jnp.float32),
            pltpu.SemaphoreType.DMA,
            pltpu.SemaphoreType.DMA,
        ],
    )
    def gather_kernel(idx_hbm, table_hbm, out_hbm, idx_v, rows_v, table_sh,
                      sem_g, sem_w):
        sid = lax.axis_index("s")
        wid = sid * _NC + lax.axis_index("c")
        base = wid * b_per_w
        @pl.when(sid == 0)
        def _():
            pltpu.sync_copy(table_hbm, table_sh)

        pltpu.sync_copy(idx_hbm.at[pl.ds(base, b_per_w)], idx_v)
        plsc.subcore_barrier()
        gathers = [
            pltpu.async_copy(
                table_sh.at[idx_v.at[pl.ds(o, n)]],
                rows_v.at[pl.ds(o, n)],
                sem_g,
            )
            for o, n in chunks
        ]
        writes = []
        for g, (o, n) in zip(gathers, chunks):
            g.wait()
            writes.append(
                pltpu.async_copy(
                    rows_v.at[pl.ds(o, n)],
                    out_hbm.at[pl.ds(base + o, n)],
                    sem_w,
                )
            )
        for w in writes:
            w.wait()

    return gather_kernel


def kernel(labels, train, table):
    del train
    idx = labels.astype(jnp.int32)
    return _make_gather(labels.shape[0], table.shape[1], table.shape[0])(idx, table)

# --- scband reference (transcript-rebuilt; emitter-appended) ---
"""Pipeline reference for scband-label-embedder-2259152798531 (READ-ONLY COPY).

The authoritative reference and input builder live on the scoring server;
editing this copy changes nothing except your own understanding.
"""

import jax, jax.numpy as jnp
import numpy as np

NUM_CLASSES = 1000
HIDDEN_SIZE = 128
BATCH = 16384

def setup_inputs(seed: int = 0) -> dict:
    key = jax.random.key(seed)
    k1, k2 = jax.random.split(key)
    labels = jax.random.randint(k1, (BATCH,), 0, NUM_CLASSES, dtype=jnp.int64 if jax.config.read('jax_enable_x64') else jnp.int32)
    # embedding table has num_classes + 1 rows (extra row = blank label for CFG dropout)
    table = jax.random.normal(k2, (NUM_CLASSES + 1, HIDDEN_SIZE), dtype=jnp.float32)
    return {"labels": labels, "train": False, "table": table}

def reference(labels, train, table):
    # eval mode (train=False, force_drop_ids=None): token_drop is skipped,
    # forward is a plain embedding lookup into the (num_classes+1, hidden) table.
    # (train=True path would stochastically replace labels with NUM_CLASSES via
    #  jnp.where(drop_ids, NUM_CLASSES, labels); deterministic eval path used here.)
    drop_ids = jax.random.uniform(jax.random.key(1), (labels.shape[0],)) < 0.1
    dropped_labels = jnp.where(drop_ids, NUM_CLASSES, labels)
    labels = jnp.where(train, dropped_labels, labels)
    embeddings = jnp.take(table, labels, axis=0)
    return embeddings

if __name__ == "__main__":
    import jax
    _d = setup_inputs()
    print(jax.jit(kernel)(*tuple(_d.values())))

</pallas_src>

<mosaic_0001>
#map = affine_map<(d0, d1) -> (0)>
#map1 = affine_map<(d0, d1) -> (0, 0)>
module attributes {stable_mosaic.version = 14 : i64} {
  func.func @gather_kernel(%arg0: i32, %arg1: i32, %arg2: memref<16384xi32, #tpu.memory_space<hbm>>, %arg3: memref<1001x128xf32, #tpu.memory_space<hbm>>, %arg4: memref<16384x128xf32, #tpu.memory_space<hbm>>, %arg5: memref<512xi32, #tpu.memory_space<vmem>>, %arg6: memref<512x128xf32, #tpu.memory_space<vmem>>, %arg7: memref<1001x128xf32, #tpu.memory_space<vmem_shared>>, %arg8: memref<!tpu.dma_semaphore, #tpu.memory_space<semaphore_mem>>, %arg9: memref<!tpu.dma_semaphore, #tpu.memory_space<semaphore_mem>>) attributes {dimension_semantics = [#tpu.dimension_semantics<core_parallel>, #tpu.dimension_semantics<subcore_parallel>], iteration_bounds = array<i64: 2, 16>, scalar_prefetch = 0 : i64, scratch_operands = 5 : i64, tpu.core_type = #tpu.core_type<sc_vector_subcore>, window_params = [{transform_indices = #map}, {transform_indices = #map1}, {transform_indices = #map1}]} {
    %mul3A = arith.constant 2 : i32
    %mul3A_0 = arith.muli %arg1, %mul3A : i32
    %add3A = arith.addi %mul3A_0, %arg0 : i32
    %mul3A_1 = arith.constant 512 : i32
    %mul3A_2 = arith.muli %add3A, %mul3A_1 : i32
    %eq3A = arith.constant 0 : i32
    %eq3A_3 = arith.cmpi eq, %arg1, %eq3A : i32
    %convert_element_type3A = arith.extui %eq3A_3 : i1 to i32
    %cond3A = arith.constant 0 : i32
    %cond3A_4 = arith.cmpi ne, %convert_element_type3A, %cond3A : i32
    scf.if %cond3A_4 {
      "tpu.region"() ({
        %run_scoped3A = tpu.sem_alloc : memref<!tpu.dma_semaphore, #tpu.memory_space<semaphore_mem>>
        tpu.enqueue_dma source(%arg3 : memref<1001x128xf32, #tpu.memory_space<hbm>>) target(%arg7 : memref<1001x128xf32, #tpu.memory_space<vmem_shared>>) target_semaphore(%run_scoped3A : memref<!tpu.dma_semaphore, #tpu.memory_space<semaphore_mem>>)
        tpu.wait_dma2 semaphore(%run_scoped3A : memref<!tpu.dma_semaphore, #tpu.memory_space<semaphore_mem>>) src(%arg3 : memref<1001x128xf32, #tpu.memory_space<hbm>>) dst(%arg7 : memref<1001x128xf32, #tpu.memory_space<vmem_shared>>)
        tpu.yield
      }) : () -> ()
    } else {
    }
    "tpu.region"() ({
      %run_scoped3A = tpu.sem_alloc : memref<!tpu.dma_semaphore, #tpu.memory_space<semaphore_mem>>
      %dma_start3A_307 = tpu.memref_slice %arg2[%mul3A_2] : memref<16384xi32, #tpu.memory_space<hbm>> -> memref<512xi32, #tpu.memory_space<hbm>>
      %dma_start3A_308 = tpu.memref_slice %arg2[%mul3A_2] : memref<16384xi32, #tpu.memory_space<hbm>> -> memref<512xi32, #tpu.memory_space<hbm>>
      tpu.enqueue_dma source(%dma_start3A_308 : memref<512xi32, #tpu.memory_space<hbm>>) target(%arg5 : memref<512xi32, #tpu.memory_space<vmem>>) target_semaphore(%run_scoped3A : memref<!tpu.dma_semaphore, #tpu.memory_space<semaphore_mem>>)
      %dma_wait3A_309 = tpu.memref_slice %arg2[%mul3A_2] : memref<16384xi32, #tpu.memory_space<hbm>> -> memref<512xi32, #tpu.memory_space<hbm>>
      %dma_wait3A_310 = tpu.memref_slice %arg2[%mul3A_2] : memref<16384xi32, #tpu.memory_space<hbm>> -> memref<512xi32, #tpu.memory_space<hbm>>
      tpu.wait_dma2 semaphore(%run_scoped3A : memref<!tpu.dma_semaphore, #tpu.memory_space<semaphore_mem>>) src(%dma_wait3A_310 : memref<512xi32, #tpu.memory_space<hbm>>) dst(%arg5 : memref<512xi32, #tpu.memory_space<vmem>>)
      tpu.yield
    }) : () -> ()
    %barrier3A = arith.constant 0 : index
    tpu.barrier barrier_id(%barrier3A)
    %dma_start3A = arith.constant 0 : i32
    %dma_start3A_5 = arith.constant 0 : i32
    %dma_start3A_6 = tpu.memref_slice %arg6[%dma_start3A, %dma_start3A_5] : memref<512x128xf32, #tpu.memory_space<vmem>> -> memref<64x128xf32, #tpu.memory_space<vmem>>
    %dma_start3A_7 = arith.constant 0 : i32
    %dma_start3A_8 = tpu.memref_slice %arg5[%dma_start3A_7] : memref<512xi32, #tpu.memory_space<vmem>> -> memref<64xi32, #tpu.memory_space<vmem>>
    %dma_start3A_9 = arith.constant 0 : i32
    %dma_start3A_10 = arith.constant 0 : i32
    %dma_start3A_11 = tpu.memref_slice %arg7[%dma_start3A_9, %dma_start3A_10] : memref<1001x128xf32, #tpu.memory_space<vmem_shared>> -> memref<1001x128xf32, #tpu.memory_space<vmem_shared>>
    tpu.enqueue_indirect_dma source(%dma_start3A_11 : memref<1001x128xf32, #tpu.memory_space<vmem_shared>>) target(%dma_start3A_6 : memref<64x128xf32, #tpu.memory_space<vmem>>) offsets(%dma_start3A_8 : memref<64xi32, #tpu.memory_space<vmem>>) semaphore(%arg8 : memref<!tpu.dma_semaphore, #tpu.memory_space<semaphore_mem>>)
    %dma_start3A_12 = arith.constant 64 : i32
    %dma_start3A_13 = arith.constant 0 : i32
    %dma_start3A_14 = tpu.memref_slice %arg6[%dma_start3A_12, %dma_start3A_13] : memref<512x128xf32, #tpu.memory_space<vmem>> -> memref<64x128xf32, #tpu.memory_space<vmem>>
    %dma_start3A_15 = arith.constant 64 : i32
    %dma_start3A_16 = tpu.memref_slice %arg5[%dma_start3A_15] : memref<512xi32, #tpu.memory_space<vmem>> -> memref<64xi32, #tpu.memory_space<vmem>>
    %dma_start3A_17 = arith.constant 0 : i32
    %dma_start3A_18 = arith.constant 0 : i32
    %dma_start3A_19 = tpu.memref_slice %arg7[%dma_start3A_17, %dma_start3A_18] : memref<1001x128xf32, #tpu.memory_space<vmem_shared>> -> memref<1001x128xf32, #tpu.memory_space<vmem_shared>>
    tpu.enqueue_indirect_dma source(%dma_start3A_19 : memref<1001x128xf32, #tpu.memory_space<vmem_shared>>) target(%dma_start3A_14 : memref<64x128xf32, #tpu.memory_space<vmem>>) offsets(%dma_start3A_16 : memref<64xi32, #tpu.memory_space<vmem>>) semaphore(%arg8 : memref<!tpu.dma_semaphore, #tpu.memory_space<semaphore_mem>>)
    %dma_start3A_20 = arith.constant 128 : i32
    %dma_start3A_21 = arith.constant 0 : i32
    %dma_start3A_22 = tpu.memref_slice %arg6[%dma_start3A_20, %dma_start3A_21] : memref<512x128xf32, #tpu.memory_space<vmem>> -> memref<64x128xf32, #tpu.memory_space<vmem>>
    %dma_start3A_23 = arith.constant 128 : i32
    %dma_start3A_24 = tpu.memref_slice %arg5[%dma_start3A_23] : memref<512xi32, #tpu.memory_space<vmem>> -> memref<64xi32, #tpu.memory_space<vmem>>
    %dma_start3A_25 = arith.constant 0 : i32
    %dma_start3A_26 = arith.constant 0 : i32
    %dma_start3A_27 = tpu.memref_slice %arg7[%dma_start3A_25, %dma_start3A_26] : memref<1001x128xf32, #tpu.memory_space<vmem_shared>> -> memref<1001x128xf32, #tpu.memory_space<vmem_shared>>
    tpu.enqueue_indirect_dma source(%dma_start3A_27 : memref<1001x128xf32, #tpu.memory_space<vmem_shared>>) target(%dma_start3A_22 : memref<64x128xf32, #tpu.memory_space<vmem>>) offsets(%dma_start3A_24 : memref<64xi32, #tpu.memory_space<vmem>>) semaphore(%arg8 : memref<!tpu.dma_semaphore, #tpu.memory_space<semaphore_mem>>)
    %dma_start3A_28 = arith.constant 192 : i32
    %dma_start3A_29 = arith.constant 0 : i32
    %dma_start3A_30 = tpu.memref_slice %arg6[%dma_start3A_28, %dma_start3A_29] : memref<512x128xf32, #tpu.memory_space<vmem>> -> memref<64x128xf32, #tpu.memory_space<vmem>>
    %dma_start3A_31 = arith.constant 192 : i32
    %dma_start3A_32 = tpu.memref_slice %arg5[%dma_start3A_31] : memref<512xi32, #tpu.memory_space<vmem>> -> memref<64xi32, #tpu.memory_space<vmem>>
    %dma_start3A_33 = arith.constant 0 : i32
    %dma_start3A_34 = arith.constant 0 : i32
    %dma_start3A_35 = tpu.memref_slice %arg7[%dma_start3A_33, %dma_start3A_34] : memref<1001x128xf32, #tpu.memory_space<vmem_shared>> -> memref<1001x128xf32, #tpu.memory_space<vmem_shared>>
    tpu.enqueue_indirect_dma source(%dma_start3A_35 : memref<1001x128xf32, #tpu.memory_space<vmem_shared>>) target(%dma_start3A_30 : memref<64x128xf32, #tpu.memory_space<vmem>>) offsets(%dma_start3A_32 : memref<64xi32, #tpu.memory_space<vmem>>) semaphore(%arg8 : memref<!tpu.dma_semaphore, #tpu.memory_space<semaphore_mem>>)
    %dma_start3A_36 = arith.constant 256 : i32
    %dma_start3A_37 = arith.constant 0 : i32
    %dma_start3A_38 = tpu.memref_slice %arg6[%dma_start3A_36, %dma_start3A_37] : memref<512x128xf32, #tpu.memory_space<vmem>> -> memref<64x128xf32, #tpu.memory_space<vmem>>
    %dma_start3A_39 = arith.constant 256 : i32
    %dma_start3A_40 = tpu.memref_slice %arg5[%dma_start3A_39] : memref<512xi32, #tpu.memory_space<vmem>> -> memref<64xi32, #tpu.memory_space<vmem>>
    %dma_start3A_41 = arith.constant 0 : i32
    %dma_start3A_42 = arith.constant 0 : i32
    %dma_start3A_43 = tpu.memref_slice %arg7[%dma_start3A_41, %dma_start3A_42] : memref<1001x128xf32, #tpu.memory_space<vmem_shared>> -> memref<1001x128xf32, #tpu.memory_space<vmem_shared>>
    tpu.enqueue_indirect_dma source(%dma_start3A_43 : memref<1001x128xf32, #tpu.memory_space<vmem_shared>>) target(%dma_start3A_38 : memref<64x128xf32, #tpu.memory_space<vmem>>) offsets(%dma_start3A_40 : memref<64xi32, #tpu.memory_space<vmem>>) semaphore(%arg8 : memref<!tpu.dma_semaphore, #tpu.memory_space<semaphore_mem>>)
    %dma_start3A_44 = arith.constant 320 : i32
    %dma_start3A_45 = arith.constant 0 : i32
    %dma_start3A_46 = tpu.memref_slice %arg6[%dma_start3A_44, %dma_start3A_45] : memref<512x128xf32, #tpu.memory_space<vmem>> -> memref<64x128xf32, #tpu.memory_space<vmem>>
    %dma_start3A_47 = arith.constant 320 : i32
    %dma_start3A_48 = tpu.memref_slice %arg5[%dma_start3A_47] : memref<512xi32, #tpu.memory_space<vmem>> -> memref<64xi32, #tpu.memory_space<vmem>>
    %dma_start3A_49 = arith.constant 0 : i32
    %dma_start3A_50 = arith.constant 0 : i32
    %dma_start3A_51 = tpu.memref_slice %arg7[%dma_start3A_49, %dma_start3A_50] : memref<1001x128xf32, #tpu.memory_space<vmem_shared>> -> memref<1001x128xf32, #tpu.memory_space<vmem_shared>>
    tpu.enqueue_indirect_dma source(%dma_start3A_51 : memref<1001x128xf32, #tpu.memory_space<vmem_shared>>) target(%dma_start3A_46 : memref<64x128xf32, #tpu.memory_space<vmem>>) offsets(%dma_start3A_48 : memref<64xi32, #tpu.memory_space<vmem>>) semaphore(%arg8 : memref<!tpu.dma_semaphore, #tpu.memory_space<semaphore_mem>>)
    %dma_start3A_52 = arith.constant 384 : i32
    %dma_start3A_53 = arith.constant 0 : i32
    %dma_start3A_54 = tpu.memref_slice %arg6[%dma_start3A_52, %dma_start3A_53] : memref<512x128xf32, #tpu.memory_space<vmem>> -> memref<64x128xf32, #tpu.memory_space<vmem>>
    %dma_start3A_55 = arith.constant 384 : i32
    %dma_start3A_56 = tpu.memref_slice %arg5[%dma_start3A_55] : memref<512xi32, #tpu.memory_space<vmem>> -> memref<64xi32, #tpu.memory_space<vmem>>
    %dma_start3A_57 = arith.constant 0 : i32
    %dma_start3A_58 = arith.constant 0 : i32
    %dma_start3A_59 = tpu.memref_slice %arg7[%dma_start3A_57, %dma_start3A_58] : memref<1001x128xf32, #tpu.memory_space<vmem_shared>> -> memref<1001x128xf32, #tpu.memory_space<vmem_shared>>
    tpu.enqueue_indirect_dma source(%dma_start3A_59 : memref<1001x128xf32, #tpu.memory_space<vmem_shared>>) target(%dma_start3A_54 : memref<64x128xf32, #tpu.memory_space<vmem>>) offsets(%dma_start3A_56 : memref<64xi32, #tpu.memory_space<vmem>>) semaphore(%arg8 : memref<!tpu.dma_semaphore, #tpu.memory_space<semaphore_mem>>)
    %dma_start3A_60 = arith.constant 448 : i32
    %dma_start3A_61 = arith.constant 0 : i32
    %dma_start3A_62 = tpu.memref_slice %arg6[%dma_start3A_60, %dma_start3A_61] : memref<512x128xf32, #tpu.memory_space<vmem>> -> memref<64x128xf32, #tpu.memory_space<vmem>>
    %dma_start3A_63 = arith.constant 448 : i32
    %dma_start3A_64 = tpu.memref_slice %arg5[%dma_start3A_63] : memref<512xi32, #tpu.memory_space<vmem>> -> memref<64xi32, #tpu.memory_space<vmem>>
    %dma_start3A_65 = arith.constant 0 : i32
    %dma_start3A_66 = arith.constant 0 : i32
    %dma_start3A_67 = tpu.memref_slice %arg7[%dma_start3A_65, %dma_start3A_66] : memref<1001x128xf32, #tpu.memory_space<vmem_shared>> -> memref<1001x128xf32, #tpu.memory_space<vmem_shared>>
    tpu.enqueue_indirect_dma source(%dma_start3A_67 : memref<1001x128xf32, #tpu.memory_space<vmem_shared>>) target(%dma_start3A_62 : memref<64x128xf32, #tpu.memory_space<vmem>>) offsets(%dma_start3A_64 : memref<64xi32, #tpu.memory_space<vmem>>) semaphore(%arg8 : memref<!tpu.dma_semaphore, #tpu.memory_space<semaphore_mem>>)
    %dma_wait3A = arith.constant 0 : i32
    %dma_wait3A_68 = arith.constant 0 : i32
    %dma_wait3A_69 = tpu.memref_slice %arg6[%dma_wait3A, %dma_wait3A_68] : memref<512x128xf32, #tpu.memory_space<vmem>> -> memref<64x128xf32, #tpu.memory_space<vmem>>
    %dma_wait3A_70 = arith.constant 0 : i32
    %dma_wait3A_71 = tpu.memref_slice %arg5[%dma_wait3A_70] : memref<512xi32, #tpu.memory_space<vmem>> -> memref<64xi32, #tpu.memory_space<vmem>>
    %dma_wait3A_72 = arith.constant 0 : i32
    %dma_wait3A_73 = arith.constant 0 : i32
    %dma_wait3A_74 = tpu.memref_slice %arg7[%dma_wait3A_72, %dma_wait3A_73] : memref<1001x128xf32, #tpu.memory_space<vmem_shared>> -> memref<1001x128xf32, #tpu.memory_space<vmem_shared>>
    tpu.wait_indirect_dma semaphore(%arg8 : memref<!tpu.dma_semaphore, #tpu.memory_space<semaphore_mem>>) src(%dma_wait3A_74 : memref<1001x128xf32, #tpu.memory_space<vmem_shared>>) dst(%dma_wait3A_69 : memref<64x128xf32, #tpu.memory_space<vmem>>)
    %add3A_75 = arith.constant 0 : i32
    %add3A_76 = arith.addi %mul3A_2, %add3A_75 : i32
    %dma_start3A_77 = arith.constant 0 : i32
    %dma_start3A_78 = arith.constant 0 : i32
    %dma_start3A_79 = tpu.memref_slice %arg6[%dma_start3A_77, %dma_start3A_78] : memref<512x128xf32, #tpu.memory_space<vmem>> -> memref<64x128xf32, #tpu.memory_space<vmem>>
    %dma_start3A_80 = arith.constant 0 : i32
    %dma_start3A_81 = tpu.memref_slice %arg4[%add3A_76, %dma_start3A_80] : memref<16384x128xf32, #tpu.memory_space<hbm>> -> memref<64x128xf32, #tpu.memory_space<hbm>>
    %dma_start3A_82 = arith.constant 0 : i32
    %dma_start3A_83 = tpu.memref_slice %arg4[%add3A_76, %dma_start3A_82] : memref<16384x128xf32, #tpu.memory_space<hbm>> -> memref<64x128xf32, #tpu.memory_space<hbm>>
    %dma_start3A_84 = arith.constant 0 : i32
    %dma_start3A_85 = arith.constant 0 : i32
    %dma_start3A_86 = tpu.memref_slice %arg6[%dma_start3A_84, %dma_start3A_85] : memref<512x128xf32, #tpu.memory_space<vmem>> -> memref<64x128xf32, #tpu.memory_space<vmem>>
    tpu.enqueue_dma source(%dma_start3A_86 : memref<64x128xf32, #tpu.memory_space<vmem>>) target(%dma_start3A_83 : memref<64x128xf32, #tpu.memory_space<hbm>>) target_semaphore(%arg9 : memref<!tpu.dma_semaphore, #tpu.memory_space<semaphore_mem>>)
    %dma_wait3A_87 = arith.constant 64 : i32
    %dma_wait3A_88 = arith.constant 0 : i32
    %dma_wait3A_89 = tpu.memref_slice %arg6[%dma_wait3A_87, %dma_wait3A_88] : memref<512x128xf32, #tpu.memory_space<vmem>> -> memref<64x128xf32, #tpu.memory_space<vmem>>
    %dma_wait3A_90 = arith.constant 64 : i32
    %dma_wait3A_91 = tpu.memref_slice %arg5[%dma_wait3A_90] : memref<512xi32, #tpu.memory_space<vmem>> -> memref<64xi32, #tpu.memory_space<vmem>>
    %dma_wait3A_92 = arith.constant 0 : i32
    %dma_wait3A_93 = arith.constant 0 : i32
    %dma_wait3A_94 = tpu.memref_slice %arg7[%dma_wait3A_92, %dma_wait3A_93] : memref<1001x128xf32, #tpu.memory_space<vmem_shared>> -> memref<1001x128xf32, #tpu.memory_space<vmem_shared>>
    tpu.wait_indirect_dma semaphore(%arg8 : memref<!tpu.dma_semaphore, #tpu.memory_space<semaphore_mem>>) src(%dma_wait3A_94 : memref<1001x128xf32, #tpu.memory_space<vmem_shared>>) dst(%dma_wait3A_89 : memref<64x128xf32, #tpu.memory_space<vmem>>)
    %add3A_95 = arith.constant 64 : i32
    %add3A_96 = arith.addi %mul3A_2, %add3A_95 : i32
    %dma_start3A_97 = arith.constant 64 : i32
    %dma_start3A_98 = arith.constant 0 : i32
    %dma_start3A_99 = tpu.memref_slice %arg6[%dma_start3A_97, %dma_start3A_98] : memref<512x128xf32, #tpu.memory_space<vmem>> -> memref<64x128xf32, #tpu.memory_space<vmem>>
    %dma_start3A_100 = arith.constant 0 : i32
    %dma_start3A_101 = tpu.memref_slice %arg4[%add3A_96, %dma_start3A_100] : memref<16384x128xf32, #tpu.memory_space<hbm>> -> memref<64x128xf32, #tpu.memory_space<hbm>>
    %dma_start3A_102 = arith.constant 0 : i32
    %dma_start3A_103 = tpu.memref_slice %arg4[%add3A_96, %dma_start3A_102] : memref<16384x128xf32, #tpu.memory_space<hbm>> -> memref<64x128xf32, #tpu.memory_space<hbm>>
    %dma_start3A_104 = arith.constant 64 : i32
    %dma_start3A_105 = arith.constant 0 : i32
    %dma_start3A_106 = tpu.memref_slice %arg6[%dma_start3A_104, %dma_start3A_105] : memref<512x128xf32, #tpu.memory_space<vmem>> -> memref<64x128xf32, #tpu.memory_space<vmem>>
    tpu.enqueue_dma source(%dma_start3A_106 : memref<64x128xf32, #tpu.memory_space<vmem>>) target(%dma_start3A_103 : memref<64x128xf32, #tpu.memory_space<hbm>>) target_semaphore(%arg9 : memref<!tpu.dma_semaphore, #tpu.memory_space<semaphore_mem>>)
    %dma_wait3A_107 = arith.constant 128 : i32
    %dma_wait3A_108 = arith.constant 0 : i32
    %dma_wait3A_109 = tpu.memref_slice %arg6[%dma_wait3A_107, %dma_wait3A_108] : memref<512x128xf32, #tpu.memory_space<vmem>> -> memref<64x128xf32, #tpu.memory_space<vmem>>
    %dma_wait3A_110 = arith.constant 128 : i32
    %dma_wait3A_111 = tpu.memref_slice %arg5[%dma_wait3A_110] : memref<512xi32, #tpu.memory_space<vmem>> -> memref<64xi32, #tpu.memory_space<vmem>>
    %dma_wait3A_112 = arith.constant 0 : i32
    %dma_wait3A_113 = arith.constant 0 : i32
    %dma_wait3A_114 = tpu.memref_slice %arg7[%dma_wait3A_112, %dma_wait3A_113] : memref<1001x128xf32, #tpu.memory_space<vmem_shared>> -> memref<1001x128xf32, #tpu.memory_space<vmem_shared>>
    tpu.wait_indirect_dma semaphore(%arg8 : memref<!tpu.dma_semaphore, #tpu.memory_space<semaphore_mem>>) src(%dma_wait3A_114 : memref<1001x128xf32, #tpu.memory_space<vmem_shared>>) dst(%dma_wait3A_109 : memref<64x128xf32, #tpu.memory_space<vmem>>)
    %add3A_115 = arith.constant 128 : i32
    %add3A_116 = arith.addi %mul3A_2, %add3A_115 : i32
    %dma_start3A_117 = arith.constant 128 : i32
    %dma_start3A_118 = arith.constant 0 : i32
    %dma_start3A_119 = tpu.memref_slice %arg6[%dma_start3A_117, %dma_start3A_118] : memref<512x128xf32, #tpu.memory_space<vmem>> -> memref<64x128xf32, #tpu.memory_space<vmem>>
    %dma_start3A_120 = arith.constant 0 : i32
    %dma_start3A_121 = tpu.memref_slice %arg4[%add3A_116, %dma_start3A_120] : memref<16384x128xf32, #tpu.memory_space<hbm>> -> memref<64x128xf32, #tpu.memory_space<hbm>>
    %dma_start3A_122 = arith.constant 0 : i32
    %dma_start3A_123 = tpu.memref_slice %arg4[%add3A_116, %dma_start3A_122] : memref<16384x128xf32, #tpu.memory_space<hbm>> -> memref<64x128xf32, #tpu.memory_space<hbm>>
    %dma_start3A_124 = arith.constant 128 : i32
    %dma_start3A_125 = arith.constant 0 : i32
    %dma_start3A_126 = tpu.memref_slice %arg6[%dma_start3A_124, %dma_start3A_125] : memref<512x128xf32, #tpu.memory_space<vmem>> -> memref<64x128xf32, #tpu.memory_space<vmem>>
    tpu.enqueue_dma source(%dma_start3A_126 : memref<64x128xf32, #tpu.memory_space<vmem>>) target(%dma_start3A_123 : memref<64x128xf32, #tpu.memory_space<hbm>>) target_semaphore(%arg9 : memref<!tpu.dma_semaphore, #tpu.memory_space<semaphore_mem>>)
    %dma_wait3A_127 = arith.constant 192 : i32
    %dma_wait3A_128 = arith.constant 0 : i32
    %dma_wait3A_129 = tpu.memref_slice %arg6[%dma_wait3A_127, %dma_wait3A_128] : memref<512x128xf32, #tpu.memory_space<vmem>> -> memref<64x128xf32, #tpu.memory_space<vmem>>
    %dma_wait3A_130 = arith.constant 192 : i32
    %dma_wait3A_131 = tpu.memref_slice %arg5[%dma_wait3A_130] : memref<512xi32, #tpu.memory_space<vmem>> -> memref<64xi32, #tpu.memory_space<vmem>>
    %dma_wait3A_132 = arith.constant 0 : i32
    %dma_wait3A_133 = arith.constant 0 : i32
    %dma_wait3A_134 = tpu.memref_slice %arg7[%dma_wait3A_132, %dma_wait3A_133] : memref<1001x128xf32, #tpu.memory_space<vmem_shared>> -> memref<1001x128xf32, #tpu.memory_space<vmem_shared>>
    tpu.wait_indirect_dma semaphore(%arg8 : memref<!tpu.dma_semaphore, #tpu.memory_space<semaphore_mem>>) src(%dma_wait3A_134 : memref<1001x128xf32, #tpu.memory_space<vmem_shared>>) dst(%dma_wait3A_129 : memref<64x128xf32, #tpu.memory_space<vmem>>)
    %add3A_135 = arith.constant 192 : i32
    %add3A_136 = arith.addi %mul3A_2, %add3A_135 : i32
    %dma_start3A_137 = arith.constant 192 : i32
    %dma_start3A_138 = arith.constant 0 : i32
    %dma_start3A_139 = tpu.memref_slice %arg6[%dma_start3A_137, %dma_start3A_138] : memref<512x128xf32, #tpu.memory_space<vmem>> -> memref<64x128xf32, #tpu.memory_space<vmem>>
    %dma_start3A_140 = arith.constant 0 : i32
    %dma_start3A_141 = tpu.memref_slice %arg4[%add3A_136, %dma_start3A_140] : memref<16384x128xf32, #tpu.memory_space<hbm>> -> memref<64x128xf32, #tpu.memory_space<hbm>>
    %dma_start3A_142 = arith.constant 0 : i32
    %dma_start3A_143 = tpu.memref_slice %arg4[%add3A_136, %dma_start3A_142] : memref<16384x128xf32, #tpu.memory_space<hbm>> -> memref<64x128xf32, #tpu.memory_space<hbm>>
    %dma_start3A_144 = arith.constant 192 : i32
    %dma_start3A_145 = arith.constant 0 : i32
    %dma_start3A_146 = tpu.memref_slice %arg6[%dma_start3A_144, %dma_start3A_145] : memref<512x128xf32, #tpu.memory_space<vmem>> -> memref<64x128xf32, #tpu.memory_space<vmem>>
    tpu.enqueue_dma source(%dma_start3A_146 : memref<64x128xf32, #tpu.memory_space<vmem>>) target(%dma_start3A_143 : memref<64x128xf32, #tpu.memory_space<hbm>>) target_semaphore(%arg9 : memref<!tpu.dma_semaphore, #tpu.memory_space<semaphore_mem>>)
    %dma_wait3A_147 = arith.constant 256 : i32
    %dma_wait3A_148 = arith.constant 0 : i32
    %dma_wait3A_149 = tpu.memref_slice %arg6[%dma_wait3A_147, %dma_wait3A_148] : memref<512x128xf32, #tpu.memory_space<vmem>> -> memref<64x128xf32, #tpu.memory_space<vmem>>
    %dma_wait3A_150 = arith.constant 256 : i32
    %dma_wait3A_151 = tpu.memref_slice %arg5[%dma_wait3A_150] : memref<512xi32, #tpu.memory_space<vmem>> -> memref<64xi32, #tpu.memory_space<vmem>>
    %dma_wait3A_152 = arith.constant 0 : i32
    %dma_wait3A_153 = arith.constant 0 : i32
    %dma_wait3A_154 = tpu.memref_slice %arg7[%dma_wait3A_152, %dma_wait3A_153] : memref<1001x128xf32, #tpu.memory_space<vmem_shared>> -> memref<1001x128xf32, #tpu.memory_space<vmem_shared>>
    tpu.wait_indirect_dma semaphore(%arg8 : memref<!tpu.dma_semaphore, #tpu.memory_space<semaphore_mem>>) src(%dma_wait3A_154 : memref<1001x128xf32, #tpu.memory_space<vmem_shared>>) dst(%dma_wait3A_149 : memref<64x128xf32, #tpu.memory_space<vmem>>)
    %add3A_155 = arith.constant 256 : i32
    %add3A_156 = arith.addi %mul3A_2, %add3A_155 : i32
    %dma_start3A_157 = arith.constant 256 : i32
    %dma_start3A_158 = arith.constant 0 : i32
    %dma_start3A_159 = tpu.memref_slice %arg6[%dma_start3A_157, %dma_start3A_158] : memref<512x128xf32, #tpu.memory_space<vmem>> -> memref<64x128xf32, #tpu.memory_space<vmem>>
    %dma_start3A_160 = arith.constant 0 : i32
    %dma_start3A_161 = tpu.memref_slice %arg4[%add3A_156, %dma_start3A_160] : memref<16384x128xf32, #tpu.memory_space<hbm>> -> memref<64x128xf32, #tpu.memory_space<hbm>>
    %dma_start3A_162 = arith.constant 0 : i32
    %dma_start3A_163 = tpu.memref_slice %arg4[%add3A_156, %dma_start3A_162] : memref<16384x128xf32, #tpu.memory_space<hbm>> -> memref<64x128xf32, #tpu.memory_space<hbm>>
    %dma_start3A_164 = arith.constant 256 : i32
    %dma_start3A_165 = arith.constant 0 : i32
    %dma_start3A_166 = tpu.memref_slice %arg6[%dma_start3A_164, %dma_start3A_165] : memref<512x128xf32, #tpu.memory_space<vmem>> -> memref<64x128xf32, #tpu.memory_space<vmem>>
    tpu.enqueue_dma source(%dma_start3A_166 : memref<64x128xf32, #tpu.memory_space<vmem>>) target(%dma_start3A_163 : memref<64x128xf32, #tpu.memory_space<hbm>>) target_semaphore(%arg9 : memref<!tpu.dma_semaphore, #tpu.memory_space<semaphore_mem>>)
    %dma_wait3A_167 = arith.constant 320 : i32
    %dma_wait3A_168 = arith.constant 0 : i32
    %dma_wait3A_169 = tpu.memref_slice %arg6[%dma_wait3A_167, %dma_wait3A_168] : memref<512x128xf32, #tpu.memory_space<vmem>> -> memref<64x128xf32, #tpu.memory_space<vmem>>
    %dma_wait3A_170 = arith.constant 320 : i32
    %dma_wait3A_171 = tpu.memref_slice %arg5[%dma_wait3A_170] : memref<512xi32, #tpu.memory_space<vmem>> -> memref<64xi32, #tpu.memory_space<vmem>>
    %dma_wait3A_172 = arith.constant 0 : i32
    %dma_wait3A_173 = arith.constant 0 : i32
    %dma_wait3A_174 = tpu.memref_slice %arg7[%dma_wait3A_172, %dma_wait3A_173] : memref<1001x128xf32, #tpu.memory_space<vmem_shared>> -> memref<1001x128xf32, #tpu.memory_space<vmem_shared>>
    tpu.wait_indirect_dma semaphore(%arg8 : memref<!tpu.dma_semaphore, #tpu.memory_space<semaphore_mem>>) src(%dma_wait3A_174 : memref<1001x128xf32, #tpu.memory_space<vmem_shared>>) dst(%dma_wait3A_169 : memref<64x128xf32, #tpu.memory_space<vmem>>)
    %add3A_175 = arith.constant 320 : i32
    %add3A_176 = arith.addi %mul3A_2, %add3A_175 : i32
    %dma_start3A_177 = arith.constant 320 : i32
    %dma_start3A_178 = arith.constant 0 : i32
    %dma_start3A_179 = tpu.memref_slice %arg6[%dma_start3A_177, %dma_start3A_178] : memref<512x128xf32, #tpu.memory_space<vmem>> -> memref<64x128xf32, #tpu.memory_space<vmem>>
    %dma_start3A_180 = arith.constant 0 : i32
    %dma_start3A_181 = tpu.memref_slice %arg4[%add3A_176, %dma_start3A_180] : memref<16384x128xf32, #tpu.memory_space<hbm>> -> memref<64x128xf32, #tpu.memory_space<hbm>>
    %dma_start3A_182 = arith.constant 0 : i32
    %dma_start3A_183 = tpu.memref_slice %arg4[%add3A_176, %dma_start3A_182] : memref<16384x128xf32, #tpu.memory_space<hbm>> -> memref<64x128xf32, #tpu.memory_space<hbm>>
    %dma_start3A_184 = arith.constant 320 : i32
    %dma_start3A_185 = arith.constant 0 : i32
    %dma_start3A_186 = tpu.memref_slice %arg6[%dma_start3A_184, %dma_start3A_185] : memref<512x128xf32, #tpu.memory_space<vmem>> -> memref<64x128xf32, #tpu.memory_space<vmem>>
    tpu.enqueue_dma source(%dma_start3A_186 : memref<64x128xf32, #tpu.memory_space<vmem>>) target(%dma_start3A_183 : memref<64x128xf32, #tpu.memory_space<hbm>>) target_semaphore(%arg9 : memref<!tpu.dma_semaphore, #tpu.memory_space<semaphore_mem>>)
    %dma_wait3A_187 = arith.constant 384 : i32
    %dma_wait3A_188 = arith.constant 0 : i32
    %dma_wait3A_189 = tpu.memref_slice %arg6[%dma_wait3A_187, %dma_wait3A_188] : memref<512x128xf32, #tpu.memory_space<vmem>> -> memref<64x128xf32, #tpu.memory_space<vmem>>
    %dma_wait3A_190 = arith.constant 384 : i32
    %dma_wait3A_191 = tpu.memref_slice %arg5[%dma_wait3A_190] : memref<512xi32, #tpu.memory_space<vmem>> -> memref<64xi32, #tpu.memory_space<vmem>>
    %dma_wait3A_192 = arith.constant 0 : i32
    %dma_wait3A_193 = arith.constant 0 : i32
    %dma_wait3A_194 = tpu.memref_slice %arg7[%dma_wait3A_192, %dma_wait3A_193] : memref<1001x128xf32, #tpu.memory_space<vmem_shared>> -> memref<1001x128xf32, #tpu.memory_space<vmem_shared>>
    tpu.wait_indirect_dma semaphore(%arg8 : memref<!tpu.dma_semaphore, #tpu.memory_space<semaphore_mem>>) src(%dma_wait3A_194 : memref<1001x128xf32, #tpu.memory_space<vmem_shared>>) dst(%dma_wait3A_189 : memref<64x128xf32, #tpu.memory_space<vmem>>)
    %add3A_195 = arith.constant 384 : i32
    %add3A_196 = arith.addi %mul3A_2, %add3A_195 : i32
    %dma_start3A_197 = arith.constant 384 : i32
    %dma_start3A_198 = arith.constant 0 : i32
    %dma_start3A_199 = tpu.memref_slice %arg6[%dma_start3A_197, %dma_start3A_198] : memref<512x128xf32, #tpu.memory_space<vmem>> -> memref<64x128xf32, #tpu.memory_space<vmem>>
    %dma_start3A_200 = arith.constant 0 : i32
    %dma_start3A_201 = tpu.memref_slice %arg4[%add3A_196, %dma_start3A_200] : memref<16384x128xf32, #tpu.memory_space<hbm>> -> memref<64x128xf32, #tpu.memory_space<hbm>>
    %dma_start3A_202 = arith.constant 0 : i32
    %dma_start3A_203 = tpu.memref_slice %arg4[%add3A_196, %dma_start3A_202] : memref<16384x128xf32, #tpu.memory_space<hbm>> -> memref<64x128xf32, #tpu.memory_space<hbm>>
    %dma_start3A_204 = arith.constant 384 : i32
    %dma_start3A_205 = arith.constant 0 : i32
    %dma_start3A_206 = tpu.memref_slice %arg6[%dma_start3A_204, %dma_start3A_205] : memref<512x128xf32, #tpu.memory_space<vmem>> -> memref<64x128xf32, #tpu.memory_space<vmem>>
    tpu.enqueue_dma source(%dma_start3A_206 : memref<64x128xf32, #tpu.memory_space<vmem>>) target(%dma_start3A_203 : memref<64x128xf32, #tpu.memory_space<hbm>>) target_semaphore(%arg9 : memref<!tpu.dma_semaphore, #tpu.memory_space<semaphore_mem>>)
    %dma_wait3A_207 = arith.constant 448 : i32
    %dma_wait3A_208 = arith.constant 0 : i32
    %dma_wait3A_209 = tpu.memref_slice %arg6[%dma_wait3A_207, %dma_wait3A_208] : memref<512x128xf32, #tpu.memory_space<vmem>> -> memref<64x128xf32, #tpu.memory_space<vmem>>
    %dma_wait3A_210 = arith.constant 448 : i32
    %dma_wait3A_211 = tpu.memref_slice %arg5[%dma_wait3A_210] : memref<512xi32, #tpu.memory_space<vmem>> -> memref<64xi32, #tpu.memory_space<vmem>>
    %dma_wait3A_212 = arith.constant 0 : i32
    %dma_wait3A_213 = arith.constant 0 : i32
    %dma_wait3A_214 = tpu.memref_slice %arg7[%dma_wait3A_212, %dma_wait3A_213] : memref<1001x128xf32, #tpu.memory_space<vmem_shared>> -> memref<1001x128xf32, #tpu.memory_space<vmem_shared>>
    tpu.wait_indirect_dma semaphore(%arg8 : memref<!tpu.dma_semaphore, #tpu.memory_space<semaphore_mem>>) src(%dma_wait3A_214 : memref<1001x128xf32, #tpu.memory_space<vmem_shared>>) dst(%dma_wait3A_209 : memref<64x128xf32, #tpu.memory_space<vmem>>)
    %add3A_215 = arith.constant 448 : i32
    %add3A_216 = arith.addi %mul3A_2, %add3A_215 : i32
    %dma_start3A_217 = arith.constant 448 : i32
    %dma_start3A_218 = arith.constant 0 : i32
    %dma_start3A_219 = tpu.memref_slice %arg6[%dma_start3A_217, %dma_start3A_218] : memref<512x128xf32, #tpu.memory_space<vmem>> -> memref<64x128xf32, #tpu.memory_space<vmem>>
    %dma_start3A_220 = arith.constant 0 : i32
    %dma_start3A_221 = tpu.memref_slice %arg4[%add3A_216, %dma_start3A_220] : memref<16384x128xf32, #tpu.memory_space<hbm>> -> memref<64x128xf32, #tpu.memory_space<hbm>>
    %dma_start3A_222 = arith.constant 0 : i32
    %dma_start3A_223 = tpu.memref_slice %arg4[%add3A_216, %dma_start3A_222] : memref<16384x128xf32, #tpu.memory_space<hbm>> -> memref<64x128xf32, #tpu.memory_space<hbm>>
    %dma_start3A_224 = arith.constant 448 : i32
    %dma_start3A_225 = arith.constant 0 : i32
    %dma_start3A_226 = tpu.memref_slice %arg6[%dma_start3A_224, %dma_start3A_225] : memref<512x128xf32, #tpu.memory_space<vmem>> -> memref<64x128xf32, #tpu.memory_space<vmem>>
    tpu.enqueue_dma source(%dma_start3A_226 : memref<64x128xf32, #tpu.memory_space<vmem>>) target(%dma_start3A_223 : memref<64x128xf32, #tpu.memory_space<hbm>>) target_semaphore(%arg9 : memref<!tpu.dma_semaphore, #tpu.memory_space<semaphore_mem>>)
    %dma_wait3A_227 = arith.constant 0 : i32
    %dma_wait3A_228 = arith.constant 0 : i32
    %dma_wait3A_229 = tpu.memref_slice %arg6[%dma_wait3A_227, %dma_wait3A_228] : memref<512x128xf32, #tpu.memory_space<vmem>> -> memref<64x128xf32, #tpu.memory_space<vmem>>
    %dma_wait3A_230 = arith.constant 0 : i32
    %dma_wait3A_231 = tpu.memref_slice %arg4[%add3A_76, %dma_wait3A_230] : memref<16384x128xf32, #tpu.memory_space<hbm>> -> memref<64x128xf32, #tpu.memory_space<hbm>>
    %dma_wait3A_232 = arith.constant 0 : i32
    %dma_wait3A_233 = tpu.memref_slice %arg4[%add3A_76, %dma_wait3A_232] : memref<16384x128xf32, #tpu.memory_space<hbm>> -> memref<64x128xf32, #tpu.memory_space<hbm>>
    %dma_wait3A_234 = arith.constant 0 : i32
    %dma_wait3A_235 = arith.constant 0 : i32
    %dma_wait3A_236 = tpu.memref_slice %arg6[%dma_wait3A_234, %dma_wait3A_235] : memref<512x128xf32, #tpu.memory_space<vmem>> -> memref<64x128xf32, #tpu.memory_space<vmem>>
    tpu.wait_dma2 semaphore(%arg9 : memref<!tpu.dma_semaphore, #tpu.memory_space<semaphore_mem>>) src(%dma_wait3A_236 : memref<64x128xf32, #tpu.memory_space<vmem>>) dst(%dma_wait3A_233 : memref<64x128xf32, #tpu.memory_space<hbm>>)
    %dma_wait3A_237 = arith.constant 64 : i32
    %dma_wait3A_238 = arith.constant 0 : i32
    %dma_wait3A_239 = tpu.memref_slice %arg6[%dma_wait3A_237, %dma_wait3A_238] : memref<512x128xf32, #tpu.memory_space<vmem>> -> memref<64x128xf32, #tpu.memory_space<vmem>>
    %dma_wait3A_240 = arith.constant 0 : i32
    %dma_wait3A_241 = tpu.memref_slice %arg4[%add3A_96, %dma_wait3A_240] : memref<16384x128xf32, #tpu.memory_space<hbm>> -> memref<64x128xf32, #tpu.memory_space<hbm>>
    %dma_wait3A_242 = arith.constant 0 : i32
    %dma_wait3A_243 = tpu.memref_slice %arg4[%add3A_96, %dma_wait3A_242] : memref<16384x128xf32, #tpu.memory_space<hbm>> -> memref<64x128xf32, #tpu.memory_space<hbm>>
    %dma_wait3A_244 = arith.constant 64 : i32
    %dma_wait3A_245 = arith.constant 0 : i32
    %dma_wait3A_246 = tpu.memref_slice %arg6[%dma_wait3A_244, %dma_wait3A_245] : memref<512x128xf32, #tpu.memory_space<vmem>> -> memref<64x128xf32, #tpu.memory_space<vmem>>
    tpu.wait_dma2 semaphore(%arg9 : memref<!tpu.dma_semaphore, #tpu.memory_space<semaphore_mem>>) src(%dma_wait3A_246 : memref<64x128xf32, #tpu.memory_space<vmem>>) dst(%dma_wait3A_243 : memref<64x128xf32, #tpu.memory_space<hbm>>)
    %dma_wait3A_247 = arith.constant 128 : i32
    %dma_wait3A_248 = arith.constant 0 : i32
    %dma_wait3A_249 = tpu.memref_slice %arg6[%dma_wait3A_247, %dma_wait3A_248] : memref<512x128xf32, #tpu.memory_space<vmem>> -> memref<64x128xf32, #tpu.memory_space<vmem>>
    %dma_wait3A_250 = arith.constant 0 : i32
    %dma_wait3A_251 = tpu.memref_slice %arg4[%add3A_116, %dma_wait3A_250] : memref<16384x128xf32, #tpu.memory_space<hbm>> -> memref<64x128xf32, #tpu.memory_space<hbm>>
    %dma_wait3A_252 = arith.constant 0 : i32
    %dma_wait3A_253 = tpu.memref_slice %arg4[%add3A_116, %dma_wait3A_252] : memref<16384x128xf32, #tpu.memory_space<hbm>> -> memref<64x128xf32, #tpu.memory_space<hbm>>
    %dma_wait3A_254 = arith.constant 128 : i32
    %dma_wait3A_255 = arith.constant 0 : i32
    %dma_wait3A_256 = tpu.memref_slice %arg6[%dma_wait3A_254, %dma_wait3A_255] : memref<512x128xf32, #tpu.memory_space<vmem>> -> memref<64x128xf32, #tpu.memory_space<vmem>>
    tpu.wait_dma2 semaphore(%arg9 : memref<!tpu.dma_semaphore, #tpu.memory_space<semaphore_mem>>) src(%dma_wait3A_256 : memref<64x128xf32, #tpu.memory_space<vmem>>) dst(%dma_wait3A_253 : memref<64x128xf32, #tpu.memory_space<hbm>>)
    %dma_wait3A_257 = arith.constant 192 : i32
    %dma_wait3A_258 = arith.constant 0 : i32
    %dma_wait3A_259 = tpu.memref_slice %arg6[%dma_wait3A_257, %dma_wait3A_258] : memref<512x128xf32, #tpu.memory_space<vmem>> -> memref<64x128xf32, #tpu.memory_space<vmem>>
    %dma_wait3A_260 = arith.constant 0 : i32
    %dma_wait3A_261 = tpu.memref_slice %arg4[%add3A_136, %dma_wait3A_260] : memref<16384x128xf32, #tpu.memory_space<hbm>> -> memref<64x128xf32, #tpu.memory_space<hbm>>
    %dma_wait3A_262 = arith.constant 0 : i32
    %dma_wait3A_263 = tpu.memref_slice %arg4[%add3A_136, %dma_wait3A_262] : memref<16384x128xf32, #tpu.memory_space<hbm>> -> memref<64x128xf32, #tpu.memory_space<hbm>>
    %dma_wait3A_264 = arith.constant 192 : i32
    %dma_wait3A_265 = arith.constant 0 : i32
    %dma_wait3A_266 = tpu.memref_slice %arg6[%dma_wait3A_264, %dma_wait3A_265] : memref<512x128xf32, #tpu.memory_space<vmem>> -> memref<64x128xf32, #tpu.memory_space<vmem>>
    tpu.wait_dma2 semaphore(%arg9 : memref<!tpu.dma_semaphore, #tpu.memory_space<semaphore_mem>>) src(%dma_wait3A_266 : memref<64x128xf32, #tpu.memory_space<vmem>>) dst(%dma_wait3A_263 : memref<64x128xf32, #tpu.memory_space<hbm>>)
    %dma_wait3A_267 = arith.constant 256 : i32
    %dma_wait3A_268 = arith.constant 0 : i32
    %dma_wait3A_269 = tpu.memref_slice %arg6[%dma_wait3A_267, %dma_wait3A_268] : memref<512x128xf32, #tpu.memory_space<vmem>> -> memref<64x128xf32, #tpu.memory_space<vmem>>
    %dma_wait3A_270 = arith.constant 0 : i32
    %dma_wait3A_271 = tpu.memref_slice %arg4[%add3A_156, %dma_wait3A_270] : memref<16384x128xf32, #tpu.memory_space<hbm>> -> memref<64x128xf32, #tpu.memory_space<hbm>>
    %dma_wait3A_272 = arith.constant 0 : i32
    %dma_wait3A_273 = tpu.memref_slice %arg4[%add3A_156, %dma_wait3A_272] : memref<16384x128xf32, #tpu.memory_space<hbm>> -> memref<64x128xf32, #tpu.memory_space<hbm>>
    %dma_wait3A_274 = arith.constant 256 : i32
    %dma_wait3A_275 = arith.constant 0 : i32
    %dma_wait3A_276 = tpu.memref_slice %arg6[%dma_wait3A_274, %dma_wait3A_275] : memref<512x128xf32, #tpu.memory_space<vmem>> -> memref<64x128xf32, #tpu.memory_space<vmem>>
    tpu.wait_dma2 semaphore(%arg9 : memref<!tpu.dma_semaphore, #tpu.memory_space<semaphore_mem>>) src(%dma_wait3A_276 : memref<64x128xf32, #tpu.memory_space<vmem>>) dst(%dma_wait3A_273 : memref<64x128xf32, #tpu.memory_space<hbm>>)
    %dma_wait3A_277 = arith.constant 320 : i32
    %dma_wait3A_278 = arith.constant 0 : i32
    %dma_wait3A_279 = tpu.memref_slice %arg6[%dma_wait3A_277, %dma_wait3A_278] : memref<512x128xf32, #tpu.memory_space<vmem>> -> memref<64x128xf32, #tpu.memory_space<vmem>>
    %dma_wait3A_280 = arith.constant 0 : i32
    %dma_wait3A_281 = tpu.memref_slice %arg4[%add3A_176, %dma_wait3A_280] : memref<16384x128xf32, #tpu.memory_space<hbm>> -> memref<64x128xf32, #tpu.memory_space<hbm>>
    %dma_wait3A_282 = arith.constant 0 : i32
    %dma_wait3A_283 = tpu.memref_slice %arg4[%add3A_176, %dma_wait3A_282] : memref<16384x128xf32, #tpu.memory_space<hbm>> -> memref<64x128xf32, #tpu.memory_space<hbm>>
    %dma_wait3A_284 = arith.constant 320 : i32
    %dma_wait3A_285 = arith.constant 0 : i32
    %dma_wait3A_286 = tpu.memref_slice %arg6[%dma_wait3A_284, %dma_wait3A_285] : memref<512x128xf32, #tpu.memory_space<vmem>> -> memref<64x128xf32, #tpu.memory_space<vmem>>
    tpu.wait_dma2 semaphore(%arg9 : memref<!tpu.dma_semaphore, #tpu.memory_space<semaphore_mem>>) src(%dma_wait3A_286 : memref<64x128xf32, #tpu.memory_space<vmem>>) dst(%dma_wait3A_283 : memref<64x128xf32, #tpu.memory_space<hbm>>)
    %dma_wait3A_287 = arith.constant 384 : i32
    %dma_wait3A_288 = arith.constant 0 : i32
    %dma_wait3A_289 = tpu.memref_slice %arg6[%dma_wait3A_287, %dma_wait3A_288] : memref<512x128xf32, #tpu.memory_space<vmem>> -> memref<64x128xf32, #tpu.memory_space<vmem>>
    %dma_wait3A_290 = arith.constant 0 : i32
    %dma_wait3A_291 = tpu.memref_slice %arg4[%add3A_196, %dma_wait3A_290] : memref<16384x128xf32, #tpu.memory_space<hbm>> -> memref<64x128xf32, #tpu.memory_space<hbm>>
    %dma_wait3A_292 = arith.constant 0 : i32
    %dma_wait3A_293 = tpu.memref_slice %arg4[%add3A_196, %dma_wait3A_292] : memref<16384x128xf32, #tpu.memory_space<hbm>> -> memref<64x128xf32, #tpu.memory_space<hbm>>
    %dma_wait3A_294 = arith.constant 384 : i32
    %dma_wait3A_295 = arith.constant 0 : i32
    %dma_wait3A_296 = tpu.memref_slice %arg6[%dma_wait3A_294, %dma_wait3A_295] : memref<512x128xf32, #tpu.memory_space<vmem>> -> memref<64x128xf32, #tpu.memory_space<vmem>>
    tpu.wait_dma2 semaphore(%arg9 : memref<!tpu.dma_semaphore, #tpu.memory_space<semaphore_mem>>) src(%dma_wait3A_296 : memref<64x128xf32, #tpu.memory_space<vmem>>) dst(%dma_wait3A_293 : memref<64x128xf32, #tpu.memory_space<hbm>>)
    %dma_wait3A_297 = arith.constant 448 : i32
    %dma_wait3A_298 = arith.constant 0 : i32
    %dma_wait3A_299 = tpu.memref_slice %arg6[%dma_wait3A_297, %dma_wait3A_298] : memref<512x128xf32, #tpu.memory_space<vmem>> -> memref<64x128xf32, #tpu.memory_space<vmem>>
    %dma_wait3A_300 = arith.constant 0 : i32
    %dma_wait3A_301 = tpu.memref_slice %arg4[%add3A_216, %dma_wait3A_300] : memref<16384x128xf32, #tpu.memory_space<hbm>> -> memref<64x128xf32, #tpu.memory_space<hbm>>
    %dma_wait3A_302 = arith.constant 0 : i32
    %dma_wait3A_303 = tpu.memref_slice %arg4[%add3A_216, %dma_wait3A_302] : memref<16384x128xf32, #tpu.memory_space<hbm>> -> memref<64x128xf32, #tpu.memory_space<hbm>>
    %dma_wait3A_304 = arith.constant 448 : i32
    %dma_wait3A_305 = arith.constant 0 : i32
    %dma_wait3A_306 = tpu.memref_slice %arg6[%dma_wait3A_304, %dma_wait3A_305] : memref<512x128xf32, #tpu.memory_space<vmem>> -> memref<64x128xf32, #tpu.memory_space<vmem>>
    tpu.wait_dma2 semaphore(%arg9 : memref<!tpu.dma_semaphore, #tpu.memory_space<semaphore_mem>>) src(%dma_wait3A_306 : memref<64x128xf32, #tpu.memory_space<vmem>>) dst(%dma_wait3A_303 : memref<64x128xf32, #tpu.memory_space<hbm>>)
    return
  }
}

</mosaic_0001>

<sc_bundles>
// kernel: kernel.3.cloned.1.call-start
scs
__scs_entry_jumppad:
0x0: {  	(pc) =	sbr.rel $0x88, $3  }
0x1: {  	(tag) =	ssettag $0x0;
	lr =	simm.s32 $0x1  }
0x2: {  	[smem:$0x3F9F] =	sst lr;
	_ =	strace $0xD0000000  }
0x3: {  	_ = 	snop  }
0x4: {  	_ = 	snop  }
0x5: {  	_ = 	snop  }
0x6: {  	_ = 	snop  }
0x7: {  	_ = 	snop  }
__scs_overlays_trampoline_lowered:
0x8: {  	[smem:$0x3FAE] =	sst s0  }
0x9: {  	[smem:$0x3FAF] =	sst s1  }
0xa: {  	[smem:$0x3FB0] =	sst s2  }
0xb: {  	[smem:$0x3FB1] =	sst s3  }
0xc: {  	[smem:$0x3FB2] =	sst s4  }
0xd: {  	[smem:$0x3FB3] =	sst s5  }
0xe: {  	[smem:$0x3FB4] =	sst s6  }
0xf: {  	[smem:$0x3FB5] =	sst s7  }
0x10: {  	[smem:$0x3FB6] =	sst s8  }
0x11: {  	[smem:$0x3FB7] =	sst s9;
	s0 =	simm.s32 @!p0 $0x0  }
0x12: {  	s1 =	sld [smem:$0x3F9D];
	s0 =	simm.s32 @p0 $0x1  }
0x13: {  	[smem:$0x3FB8] =	sst s0;
	s0 =	simm.s32 @!p1 $0x0  }
0x14: {  	s2 =	sld [smem:$0x3F9C];
	s0 =	simm.s32 @p1 $0x1  }
0x15: {  	[smem:$0x3FB9] =	sst s0;
	s0 =	simm.s32 @!p2 $0x0  }
0x16: {  	s3 =	sld [smem:$0x3FDB];
	s0 =	simm.s32 @p2 $0x1  }
0x17: {  	s4 =	simm.s32 $0x1BF5;
	[smem:$0x3FBB] =	sst s0  }
0x18: {  	s0 =	sld [smem:$0x3F9E];
	_ =	swait.ge [sflag:s4], $0x0  }
0x19: {  	s7 =	sld [smem:$0x3F9F]  }
0x1a: {  	s8 =	sadd.s32 $0xFFFFE003, lr  }
0x1b: {  	s9 =	sadd.s32 $0xFFFFFEF7, lr;
	s5 =	simm.s32 $0xFFFFFFFF;
	p2 =	slt.u32 s8, $0xFFFFF086  }
0x1c: {  	p1 =	slt.u32 s9, $0xF7A;
	s5 =	simm.s32 @!p2 $0x0  }
0x1d: {  	s5 =	simm.s32 @p1 $0x1;
	p0 =	seq.s32 s7, s2  }
0x1e: {  	s7 =	smul.u32 @!p0 $0xF7A, s2;
	p2 =	seq.s32 @!p0 s5, $0x0  }
0x1f: {  	s9 =	smul.u32 $0xF7A, s1;
	s8 =	simm.s32 @!p0 $0x1BF5;
	p2 =	por !p2, p0  }
0x20: {  	[sflag:s8] =	ssyncset.s32 @!p0 $0xFFFFF086;
	s6 =	sadd.s32 @!p0 s3, s7;
	s7 =	simm.s32 @!p0 $0x108  }
0x21: {  	s3 =	sadd.s32 s3, s9;
	s6 =	sadd.s32 @!p0 $0x88, s6;
	s7 =	simm.s32 @p2 $0x1082  }
0x22: {  	[simem:s7], [sflag:s8] =	dma.local @!p0 [hbm:s6], $0xF7A  }
0x23: {  	s9 =	sor.u32 $0xD0000000, s2;
	s6 =	simm.s32 $0x108;
	_ =	swait.ge @!p0 [sflag:s8], $0x0  }
0x24: {  	s3 =	sadd.s32 $0x88, s3;
	s6 =	simm.s32 @!p1 $0x1082;
	[sflag:s4] =	ssyncset.s32 $0xFFFFF086  }
0x25: {  	[simem:s6], [sflag:s4] =	dma.local [hbm:s3], $0xF7A  }
0x26: {  	[smem:$0x3F9F] =	sst s1;
	(tag) =	ssettag s2;
	_ =	strace s9  }
0x27: {  	s1 =	sld [smem:$0x3FAF]  }
0x28: {  	s2 =	sld [smem:$0x3FB0]  }
0x29: {  	s4 =	sld [smem:$0x3FB2]  }
0x2a: {  	p0 =	seq.s32 s5, $0x0;
	s5 =	sld [smem:$0x3FB3]  }
0x2b: {  	s6 =	sld [smem:$0x3FB4]  }
0x2c: {  	s7 =	sld [smem:$0x3FB5]  }
0x2d: {  	s3 =	simm.s32 $0x108;
	s8 =	sld [smem:$0x3FB6]  }
0x2e: {  	s3 =	simm.s32 @!p0 $0x1082;
	s9 =	sld [smem:$0x3FB7]  }
0x2f: {  	lr =	sadd.s32 s0, s3;
	s0 =	sld [smem:$0x3FAE]  }
0x30: {  	s3 =	sld [smem:$0x3FB1]  }
0x31: {  	[smem:$0x3FBA] =	sst s10  }
0x32: {  	s10 =	sld [smem:$0x3FB8];
	_ =	sdelay $0x3  }
0x33: {  	p0 =	seq.s32 s10, $0x1;
	s10 =	sld [smem:$0x3FBA];
	_ =	sdelay $0x3  }
0x34: {  	[smem:$0x3FBA] =	sst s10  }
0x35: {  	s10 =	sld [smem:$0x3FB9];
	_ =	sdelay $0x3  }
0x36: {  	p1 =	seq.s32 s10, $0x1;
	s10 =	sld [smem:$0x3FBA];
	_ =	sdelay $0x3  }
0x37: {  	[smem:$0x3FBA] =	sst s10  }
0x38: {  	s10 =	sld [smem:$0x3FBB]  }
0x39: {  	_ = 	snop;
	(pc) =	sbr.ind lr, $3  }
0x3a: {  	_ = 	snop  }
0x3b: {  	_ = 	snop  }
0x3c: {  	p2 =	seq.s32 s10, $0x1;
	s10 =	sld [smem:$0x3FBA]  }
0x3d: {  	_ =	shalt  }
0x3e: {  	_ =	shalt  }
0x3f: {  	_ =	shalt  }
0x40: {  	_ =	shalt  }
0x41: {  	_ =	shalt  }
0x42: {  	_ =	shalt  }
0x43: {  	_ =	shalt  }
0x44: {  	_ =	shalt  }
0x45: {  	_ =	shalt  }
0x46: {  	_ =	shalt  }
0x47: {  	_ =	shalt  }
0x48: {  	_ =	shalt  }
0x49: {  	_ =	shalt  }
0x4a: {  	_ =	shalt  }
0x4b: {  	_ =	shalt  }
0x4c: {  	_ =	shalt  }
0x4d: {  	_ =	shalt  }
0x4e: {  	_ =	shalt  }
0x4f: {  	_ =	shalt  }
0x50: {  	_ =	shalt  }
0x51: {  	_ =	shalt  }
0x52: {  	_ =	shalt  }
0x53: {  	_ =	shalt  }
0x54: {  	_ =	shalt  }
0x55: {  	_ =	shalt  }
0x56: {  	_ =	shalt  }
0x57: {  	_ =	shalt  }
0x58: {  	_ =	shalt  }
0x59: {  	_ =	shalt  }
0x5a: {  	_ =	shalt  }
0x5b: {  	_ =	shalt  }
0x5c: {  	_ =	shalt  }
0x5d: {  	_ =	shalt  }
0x5e: {  	_ =	shalt  }
0x5f: {  	_ =	shalt  }
0x60: {  	_ =	shalt  }
0x61: {  	_ =	shalt  }
0x62: {  	_ =	shalt  }
0x63: {  	_ =	shalt  }
0x64: {  	_ =	shalt  }
0x65: {  	_ =	shalt  }
0x66: {  	_ =	shalt  }
0x67: {  	_ =	shalt  }
0x68: {  	_ =	shalt  }
0x69: {  	_ =	shalt  }
0x6a: {  	_ =	shalt  }
0x6b: {  	_ =	shalt  }
0x6c: {  	_ =	shalt  }
0x6d: {  	_ =	shalt  }
0x6e: {  	_ =	shalt  }
0x6f: {  	_ =	shalt  }
0x70: {  	_ =	shalt  }
0x71: {  	_ =	shalt  }
0x72: {  	_ =	shalt  }
0x73: {  	_ =	shalt  }
0x74: {  	_ =	shalt  }
0x75: {  	_ =	shalt  }
0x76: {  	_ =	shalt  }
0x77: {  	_ =	shalt  }
0x78: {  	_ =	shalt  }
0x79: {  	_ =	shalt  }
0x7a: {  	_ =	shalt  }
0x7b: {  	_ =	shalt  }
0x7c: {  	_ =	shalt  }
0x7d: {  	_ =	shalt  }
0x7e: {  	_ =	shalt  }
0x7f: {  	_ =	shalt  }
0x80: {  	_ =	shalt  }
0x81: {  	_ =	shalt  }
0x82: {  	_ =	shalt  }
0x83: {  	_ =	shalt  }
0x84: {  	_ =	shalt  }
0x85: {  	_ =	shalt  }
0x86: {  	_ =	shalt  }
0x87: {  	_ =	shalt  }
.Lfunc_end0:
.L_simem_size_0:
called_computation_lowered:
.L_overlay_start_0:
0x88: {  	s2 =	sld [smem:$0x3FD9]  }
0x89: {  	s3 =	sld [smem:$0x3FFE];
	_ =	sdelay $0x1  }
0x8a: {  	s1 =	srdreg.scid  }
0x8b: {  	s0 =	sand.u32 $0x1, s1  }
0x8c: {  	s18 =	sshll.u32 s0, $0xA;
	s2 =	sadd.s32 s3, s2  }
0x8d: {  	s2 =	sadd.s32 s2, s18  }
0x8e: {  	[smem:$0x3FC6] =	sst s2  }
0x8f: {  	_ = 	snop  }
0x90: {  	s2 =	sld [smem:$0x3FC9]  }
0x91: {  	s19 =	sld [smem:$0x3FC8]  }
0x92: {  	s4 =	sld [smem:$0x3FD0];
	(tm) =	ssettm $0x1  }
0x93: {  	s5 =	sld [smem:$0x3FFB];
	_ =	sdelay $0x3  }
0x94: {  	_ =	strace s5  }
0x95: {  	s5 =	sld [smem:$0x3FFC];
	_ =	sdelay $0x3  }
0x96: {  	_ =	strace s5  }
0x97: {  	s5 =	sld [smem:$0x3FFD];
	_ =	sdelay $0x3  }
0x98: {  	_ =	strace s5  }
0x99: {  	_ =	strace $0x8FFFFFFF  }
0x9a: {  	s20 =	sld [smem:$0x3FDB];
	_ =	sdelay $0x1  }
0x9b: {  	s6 =	simm.s32 $_scs_section_size  }
0x9c: {  	s7 =	simm.s32 $_size__tile_overlayer_lowered;
	s8 =	simm.s32 $_tile_overlayer_lowered  }
0x9d: {  	s23 =	simm.s32 $0x1BFF;
	s22 =	sshll.u32 s8, $0x1;
	s5 =	sadd.s32 s6, s20  }
0x9e: {  	s9 =	simm.s32 $0x0;
	s21 =	sshll.u32 s7, $0x1;
	s7 =	sadd.s32 s22, s5  }
0x9f: {  	[timem:s9], [sflag:s23] =	dma.local [hbm:s7], s21  }
0xa0: {  	_ =	swait.ge [sflag:s23], s21  }
0xa1: {  	s6 =	ssub.s32 $0x0, s21;
	[sflag:s23] =	ssyncset.done $0x0  }
0xa2: {  	[sflag:s23] =	ssyncadd.s32 s6;
	_ =	sdelay $0x1  }
0xa3: {  	s24 =	simm.s32 $0x1B8B  }
0xa4: {  	_ =	swait.ge [sflag:s24], $0x1  }
0xa5: {  	[sflag:s24] =	ssyncset.done $0x0  }
0xa6: {  	s25 =	simm.s32 $0x1B8E;
	[sflag:s24] =	ssyncadd.s32 $0xFFFFFFFF  }
0xa7: {  	s26 =	simm.s32 $execute0_lowered;
	[smem:$0x3FD2] =	sst s25  }
0xa8: {  	s6 =	sshll.u32 s26, $0x1;
	_ =	strace $0x80000046;
	[dreg:$0x1] =	wrdreg $0xFFFFFFFF  }
0xa9: {  	s28 =	simm.s32 $_size_execute0_lowered;
	s5 =	sadd.s32 s5, s6;
	[dreg:$0x0] =	wrdreg $0x0  }
0xaa: {  	s6 =	sshll.u32 s28, $0x1;
	[dreg:$0x2] =	wrdreg s5  }
0xab: {  	[dreg:$0x3] =	wrdreg s6  }
0xac: {  	[dreg:$0x4] =	wrdreg $0xC0  }
0xad: {  	_ =	task [dreg:s9], $0x5FFFF  }
0xae: {  	[dreg:$0x1] =	wrdreg $0xFFFFFFFF  }
0xaf: {  	[dreg:$0x0] =	wrdreg $0x60  }
0xb0: {  	[dreg:$0x2] =	wrdreg s2  }
0xb1: {  	[dreg:$0x3] =	wrdreg s19  }
0xb2: {  	[dreg:$0x4] =	wrdreg s4  }
0xb3: {  	[dreg:$0x5] =	wrdreg $0x102000  }
0xb4: {  	[dreg:$0x6] =	wrdreg $0x9  }
0xb5: {  	_ =	task.clear_ibuf [dreg:s9], $0x7FFFF;
	_ =	strace $0x90000046  }
0xb6: {  	s29 =	simm.s32 $0x9;
	_ =	strace $0x80000048  }
0xb7: {  	_ =	swait.ge [sflag:s29], $0x1  }
0xb8: {  	[sflag:s29] =	ssyncadd.s32 $0xFFFFFFFF  }
0xb9: {  	_ =	strace $0x90000048  }
0xba: {  	_ =	sfence  }
0xbb: {  	s30 =	sld [smem:$0x0];
	_ =	sdelay $0x2  }
0xbc: {  	s31 =	sshll.u32 s1, $0xD;
	s1 =	sshrl.u32 s1, $0x2  }
0xbd: {  	s3 =	sand.u32 $0x4000, s31;
	s1 =	sadd.s32 s1, s30  }
0xbe: {  	s0 =	sor.u32 s3, s0;
	s1 =	sshll.u32 s1, $0x11  }
0xbf: {  	s0 =	sor.u32 s1, s0  }
0xc0: {  	s0 =	sadd.s32 $0x8F2B, s0  }
0xc1: {  	[sflag:s0] =	ssyncadd.remote.s32 $0x1  }
0xc2: {  	_ =	sfence.sel $0xFFFF  }
0xc3: {  	[dreg:$0x0] =	wrdreg $0xFFFFFFFF;
	(pc) =	sbr.abs _section_cstart, $3  }
0xc4: {  	[dreg:$0x1] =	wrdreg $0xFFFFFFFF  }
0xc5: {  	_ =	task.clear_ibuf [dreg:s9], $0x2FFFF;
	_ =	strace $0x9FFFFFFF  }
0xc6: {  	(tm) =	ssettm $0x7FFFFFFF  }
0xc7: {  	_ =	shalt  }
tec
execute0_lowered:
.L_overlay_start_1:
0x0: {  	(tag) =	ssettag $0x1  }
0x1: {  	s0 =	rddreg [dreg:$0x0]  }
0x2: {  	s1 =	rddreg [dreg:$0x1]  }
0x3: {  	s2 =	rddreg [dreg:$0x2]  }
0x4: {  	s23 =	srdreg.scid;
	s7 =	rddreg [dreg:$0x3]  }
0x5: {  	s3 =	stileid.u32;
	s30 =	rddreg [dreg:$0x4]  }
0x6: {  	s20 =	simm.s32 $0x3;
	s19 =	simm.s32 $0x40;
	s18 =	simm.s32 $0x200  }
0x7: {  	s17 =	simm.s32 $0x2200;
	s21 =	simm.s32 $0x80;
	s16 =	simm.s32 $0x4200  }
0x8: {  	s22 =	simm.s32 $0xC0;
	s15 =	simm.s32 $0x6200;
	s14 =	simm.s32 $0x8200  }
0x9: {  	s12 =	simm.s32 $0xA200;
	p1 =	por $0x0, $0x0;
	s11 =	simm.s32 $0xE200  }
0xa: {  	s13 =	simm.s32 $0x1;
	[dreg:$0x5] =	wrdreg s1;
	s4 =	sand.u32 $0x1, s23  }
0xb: {  	s5 =	sshll.u32 s3, $0xA;
	s1 =	simm.s32 $0x0;
	p0 =	sne.s32 s3, $0x0  }
0xc: {  	s23 =	simm.s32 $0x100;
	s3 =	simm.s32 $0x2;
	s24 =	ssub.s32 $0x2, s4  }
0xd: {  	s6 =	sshll.u32 s4, $0x9;
	[smem:$0x7FF] =	sst s1;
	s4 =	sshrl.u32 s24, $0x1  }
0xe: {  	s28 =	sshrl.u32 @!p0 s7, $0x3;
	s5 =	sor.u32 s6, s5;
	s10 =	ssub.s32 s24, s4  }
0xf: {  	_ =	strace $0x80000047;
	s6 =	sshrl.u32 s5, $0x3;
	s29 =	smax.u32 s10, $0x1  }
0x10: {  	s5 =	sshll.u32 s5, $0x4;
	s24 =	simm.s32 $0x140;
	s31 =	sadd.s32 $0xFFFFFFFF, s29  }
0x11: {  	s0 =	sadd.s32 s0, s6;
	s9 =	sadd.s32 s2, s5;
	p2 =	sne.s32 s31, $0x0  }
.Ltmp0:
0x12: {  	s10 =	simm.s32 $0xC200;
	[dreg:$0x6] =	wrdreg s0;
	(pc) =	sbr.rel @!p2 .LBB2_5-.Ltmp0, $4  }
0x13: {  	s25 =	sadd.s32 $0x400, s9;
	s26 =	sadd.s32 $0x800, s9;
	s8 =	sadd.s32 $0xC00, s9  }
0x14: {  	s6 =	sadd.s32 $0x1000, s9;
	s5 =	sadd.s32 $0x1400, s9;
	s0 =	rddreg [dreg:$0x5]  }
0x15: {  	s4 =	sadd.s32 $0x1800, s9;
	s2 =	sadd.s32 $0x1C00, s9;
	[dreg:$0x7] =	wrdreg s25  }
0x16: {  	[dreg:$0x8] =	wrdreg s26;
	s25 =	simm.s32 $0x180;
	s26 =	simm.s32 $0x1C0  }
0x17: {  	s29 =	simm.s32 @!p0 $0x1C03;
	s30 =	simm.s32 @!p0 $0x3  }
0x18: {  	[spmem:s28], [sflag:s29] =	dma.local @!p0 [hbm:s0], $0x3E90  }
0x19: {  	_ =	swait.ge @!p0 [sflag:s30], $0x3E90  }
0x1a: {  	[sflag:s30] =	ssyncset.done @!p0 $0x0  }
0x1b: {  	s0 =	rddreg [dreg:$0x6];
	[sflag:s30] =	ssyncadd.s32 @!p0 $0xFFFFC170  }
0x1c: {  	[tilespmem:s1], [sflag:$0x3] =	stream.linear.gather [hbm4b:s0+s1], $0x200, $0x38;
	[tilespmem:$0x12148] =	vst v63  }
0x1d: {  	_ =	swait.ge [sflag:s20], $0x200  }
0x1e: {  	[sflag:s20] =	ssyncset.done $0x0  }
0x1f: {  	[sflag:s20] =	ssyncadd.s32 $0xFFFFFE00  }
0x20: {  	[bflag:$0x0] =	sbarrier.arrive $0xFFFF  }
0x21: {  	[tilespmem:s18], [sflag:$0x1] =	stream.indirect.gather [spmem:s7], $0x80, s1, s19, $0xb8;
	[tilespmem:$0x12148] =	vst v63  }
0x22: {  	_ = 	snop  }
0x23: {  	[tilespmem:s17], [sflag:$0x1] =	stream.indirect.gather [spmem:s7], $0x80, s19, s19, $0xb8;
	[tilespmem:$0x12148] =	vst v63  }
0x24: {  	_ = 	snop  }
0x25: {  	[tilespmem:s16], [sflag:$0x1] =	stream.indirect.gather [spmem:s7], $0x80, s21, s19, $0xb8;
	[tilespmem:$0x12148] =	vst v63  }
0x26: {  	_ = 	snop  }
0x27: {  	[tilespmem:s15], [sflag:$0x1] =	stream.indirect.gather [spmem:s7], $0x80, s22, s19, $0xb8;
	[tilespmem:$0x12148] =	vst v63  }
0x28: {  	_ = 	snop  }
0x29: {  	[tilespmem:s14], [sflag:$0x1] =	stream.indirect.gather [spmem:s7], $0x80, s23, s19, $0xb8;
	[tilespmem:$0x12148] =	vst v63  }
0x2a: {  	_ = 	snop  }
0x2b: {  	[tilespmem:s12], [sflag:$0x1] =	stream.indirect.gather [spmem:s7], $0x80, s24, s19, $0xb8;
	[tilespmem:$0x12148] =	vst v63  }
0x2c: {  	_ = 	snop  }
0x2d: {  	[tilespmem:s10], [sflag:$0x1] =	stream.indirect.gather [spmem:s7], $0x80, s25, s19, $0xb8;
	[tilespmem:$0x12148] =	vst v63  }
0x2e: {  	_ = 	snop  }
0x2f: {  	[tilespmem:s11], [sflag:$0x1] =	stream.indirect.gather [spmem:s7], $0x80, s26, s19, $0xb8;
	[tilespmem:$0x12148] =	vst v63  }
0x30: {  	_ =	swait.ge [sflag:s13], $0x2000  }
0x31: {  	[sflag:s13] =	ssyncset.done $0x0  }
0x32: {  	[sflag:s13] =	ssyncadd.s32 $0xFFFFE000  }
0x33: {  	[hbm4b:s9+s1] =	stream.linear.scatter [tilespmem:s18], [sflag:$0x2], $0x2000, $0x38;
	[tilespmem:$0x12148] =	vst v63  }
0x34: {  	_ =	swait.ge [sflag:s13], $0x2000  }
0x35: {  	[sflag:s13] =	ssyncset.done $0x0  }
0x36: {  	s0 =	rddreg [dreg:$0x7];
	[sflag:s13] =	ssyncadd.s32 $0xFFFFE000  }
0x37: {  	[hbm4b:s0+s1] =	stream.linear.scatter [tilespmem:s17], [sflag:$0x2], $0x2000, $0x38;
	[tilespmem:$0x12148] =	vst v63  }
0x38: {  	_ =	swait.ge [sflag:s13], $0x2000  }
0x39: {  	[sflag:s13] =	ssyncset.done $0x0  }
0x3a: {  	s0 =	rddreg [dreg:$0x8];
	[sflag:s13] =	ssyncadd.s32 $0xFFFFE000  }
0x3b: {  	[hbm4b:s0+s1] =	stream.linear.scatter [tilespmem:s16], [sflag:$0x2], $0x2000, $0x38;
	[tilespmem:$0x12148] =	vst v63  }
0x3c: {  	_ =	swait.ge [sflag:s13], $0x2000  }
0x3d: {  	[sflag:s13] =	ssyncset.done $0x0  }
0x3e: {  	[sflag:s13] =	ssyncadd.s32 $0xFFFFE000  }
0x3f: {  	[hbm4b:s8+s1] =	stream.linear.scatter [tilespmem:s15], [sflag:$0x2], $0x2000, $0x38;
	[tilespmem:$0x12148] =	vst v63  }
0x40: {  	_ =	swait.ge [sflag:s13], $0x2000  }
0x41: {  	[sflag:s13] =	ssyncset.done $0x0  }
0x42: {  	[sflag:s13] =	ssyncadd.s32 $0xFFFFE000  }
0x43: {  	[hbm4b:s6+s1] =	stream.linear.scatter [tilespmem:s14], [sflag:$0x2], $0x2000, $0x38;
	[tilespmem:$0x12148] =	vst v63  }
0x44: {  	_ =	swait.ge [sflag:s13], $0x2000  }
0x45: {  	[sflag:s13] =	ssyncset.done $0x0  }
0x46: {  	[sflag:s13] =	ssyncadd.s32 $0xFFFFE000  }
0x47: {  	[hbm4b:s5+s1] =	stream.linear.scatter [tilespmem:s12], [sflag:$0x2], $0x2000, $0x38;
	[tilespmem:$0x12148] =	vst v63  }
0x48: {  	_ =	swait.ge [sflag:s13], $0x2000  }
0x49: {  	[sflag:s13] =	ssyncset.done $0x0  }
0x4a: {  	[sflag:s13] =	ssyncadd.s32 $0xFFFFE000  }
0x4b: {  	[hbm4b:s4+s1] =	stream.linear.scatter [tilespmem:s10], [sflag:$0x2], $0x2000, $0x38;
	[tilespmem:$0x12148] =	vst v63  }
0x4c: {  	_ =	swait.ge [sflag:s13], $0x2000  }
0x4d: {  	[sflag:s13] =	ssyncset.done $0x0  }
0x4e: {  	[sflag:s13] =	ssyncadd.s32 $0xFFFFE000  }
0x4f: {  	[hbm4b:s2+s1] =	stream.linear.scatter [tilespmem:s11], [sflag:$0x2], $0x2000, $0x38;
	[tilespmem:$0x12148] =	vst v63  }
0x50: {  	_ =	swait.ge [sflag:s3], $0x2000  }
0x51: {  	[sflag:s3] =	ssyncset.done $0x0  }
0x52: {  	[sflag:s3] =	ssyncadd.s32 $0xFFFFE000  }
0x53: {  	_ =	swait.ge [sflag:s3], $0x2000  }
0x54: {  	[sflag:s3] =	ssyncset.done $0x0  }
0x55: {  	[sflag:s3] =	ssyncadd.s32 $0xFFFFE000  }
0x56: {  	_ =	swait.ge [sflag:s3], $0x2000  }
0x57: {  	[sflag:s3] =	ssyncset.done $0x0  }
0x58: {  	[sflag:s3] =	ssyncadd.s32 $0xFFFFE000  }
0x59: {  	_ =	swait.ge [sflag:s3], $0x2000  }
0x5a: {  	[sflag:s3] =	ssyncset.done $0x0  }
0x5b: {  	[sflag:s3] =	ssyncadd.s32 $0xFFFFE000  }
0x5c: {  	_ =	swait.ge [sflag:s3], $0x2000  }
0x5d: {  	[sflag:s3] =	ssyncset.done $0x0  }
0x5e: {  	[sflag:s3] =	ssyncadd.s32 $0xFFFFE000  }
0x5f: {  	_ =	swait.ge [sflag:s3], $0x2000  }
0x60: {  	s31 =	sadd.s32 $0xFFFFFFFF, s31;
	[sflag:s3] =	ssyncset.done $0x0  }
0x61: {  	p2 =	sne.s32 s31, $0x0;
	[sflag:s3] =	ssyncadd.s32 $0xFFFFE000  }
.Ltmp1:
0x62: {  	_ =	swait.ge [sflag:s3], $0x2000;
	(pc) =	sbr.rel @!p2 .LBB2_2-.Ltmp1, $4  }
0x63: {  	[sflag:s3] =	ssyncset.done $0x0  }
0x64: {  	[sflag:s3] =	ssyncadd.s32 $0xFFFFE000  }
0x65: {  	_ =	swait.ge [sflag:s3], $0x2000  }
0x66: {  	p1 =	por $0x1, $0x1;
	s0 =	rddreg [dreg:$0x5];
	[sflag:s3] =	ssyncset.done $0x0  }
.LBB2_3:
0x67: {  	[sflag:s3] =	ssyncadd.s32 $0xFFFFE000  }
0x68: {  	[spmem:s28], [sflag:s29] =	dma.local @!p0 [hbm:s0], $0x3E90  }
0x69: {  	_ =	swait.ge @!p0 [sflag:s30], $0x3E90  }
0x6a: {  	[sflag:s30] =	ssyncset.done @!p0 $0x0  }
0x6b: {  	s0 =	rddreg [dreg:$0x6];
	[sflag:s30] =	ssyncadd.s32 @!p0 $0xFFFFC170  }
0x6c: {  	[tilespmem:s1], [sflag:$0x3] =	stream.linear.gather [hbm4b:s0+s1], $0x200, $0x38;
	[tilespmem:$0x12148] =	vst v63  }
0x6d: {  	_ =	swait.ge [sflag:s20], $0x200  }
0x6e: {  	[sflag:s20] =	ssyncset.done $0x0  }
0x6f: {  	[sflag:s20] =	ssyncadd.s32 $0xFFFFFE00  }
0x70: {  	[bflag:$0x0] =	sbarrier.arrive $0xFFFF  }
0x71: {  	[tilespmem:s18], [sflag:$0x1] =	stream.indirect.gather [spmem:s7], $0x80, s1, s19, $0xb8;
	[tilespmem:$0x12148] =	vst v63  }
0x72: {  	_ = 	snop  }
0x73: {  	[tilespmem:s17], [sflag:$0x1] =	stream.indirect.gather [spmem:s7], $0x80, s19, s19, $0xb8;
	[tilespmem:$0x12148] =	vst v63  }
0x74: {  	_ = 	snop  }
0x75: {  	[tilespmem:s16], [sflag:$0x1] =	stream.indirect.gather [spmem:s7], $0x80, s21, s19, $0xb8;
	[tilespmem:$0x12148] =	vst v63  }
0x76: {  	_ = 	snop  }
0x77: {  	[tilespmem:s15], [sflag:$0x1] =	stream.indirect.gather [spmem:s7], $0x80, s22, s19, $0xb8;
	[tilespmem:$0x12148] =	vst v63  }
0x78: {  	_ = 	snop  }
0x79: {  	[tilespmem:s14], [sflag:$0x1] =	stream.indirect.gather [spmem:s7], $0x80, s23, s19, $0xb8;
	[tilespmem:$0x12148] =	vst v63  }
0x7a: {  	_ = 	snop  }
0x7b: {  	[tilespmem:s12], [sflag:$0x1] =	stream.indirect.gather [spmem:s7], $0x80, s24, s19, $0xb8;
	[tilespmem:$0x12148] =	vst v63  }
0x7c: {  	_ = 	snop  }
0x7d: {  	[tilespmem:s10], [sflag:$0x1] =	stream.indirect.gather [spmem:s7], $0x80, s25, s19, $0xb8;
	[tilespmem:$0x12148] =	vst v63  }
0x7e: {  	_ = 	snop  }
0x7f: {  	[tilespmem:s11], [sflag:$0x1] =	stream.indirect.gather [spmem:s7], $0x80, s26, s19, $0xb8;
	[tilespmem:$0x12148] =	vst v63  }
0x80: {  	_ =	swait.ge [sflag:s13], $0x2000  }
0x81: {  	[sflag:s13] =	ssyncset.done $0x0  }
0x82: {  	[sflag:s13] =	ssyncadd.s32 $0xFFFFE000  }
0x83: {  	[hbm4b:s9+s1] =	stream.linear.scatter [tilespmem:s18], [sflag:$0x2], $0x2000, $0x38;
	[tilespmem:$0x12148] =	vst v63  }
0x84: {  	_ =	swait.ge [sflag:s13], $0x2000  }
0x85: {  	[sflag:s13] =	ssyncset.done $0x0  }
0x86: {  	s0 =	rddreg [dreg:$0x7];
	[sflag:s13] =	ssyncadd.s32 $0xFFFFE000  }
0x87: {  	[hbm4b:s0+s1] =	stream.linear.scatter [tilespmem:s17], [sflag:$0x2], $0x2000, $0x38;
	[tilespmem:$0x12148] =	vst v63  }
0x88: {  	_ =	swait.ge [sflag:s13], $0x2000  }
0x89: {  	[sflag:s13] =	ssyncset.done $0x0  }
0x8a: {  	s0 =	rddreg [dreg:$0x8];
	[sflag:s13] =	ssyncadd.s32 $0xFFFFE000  }
0x8b: {  	[hbm4b:s0+s1] =	stream.linear.scatter [tilespmem:s16], [sflag:$0x2], $0x2000, $0x38;
	[tilespmem:$0x12148] =	vst v63  }
0x8c: {  	_ =	swait.ge [sflag:s13], $0x2000  }
0x8d: {  	[sflag:s13] =	ssyncset.done $0x0  }
0x8e: {  	[sflag:s13] =	ssyncadd.s32 $0xFFFFE000  }
0x8f: {  	[hbm4b:s8+s1] =	stream.linear.scatter [tilespmem:s15], [sflag:$0x2], $0x2000, $0x38;
	[tilespmem:$0x12148] =	vst v63  }
0x90: {  	_ =	swait.ge [sflag:s13], $0x2000  }
0x91: {  	[sflag:s13] =	ssyncset.done $0x0  }
0x92: {  	[sflag:s13] =	ssyncadd.s32 $0xFFFFE000  }
0x93: {  	[hbm4b:s6+s1] =	stream.linear.scatter [tilespmem:s14], [sflag:$0x2], $0x2000, $0x38;
	[tilespmem:$0x12148] =	vst v63  }
0x94: {  	_ =	swait.ge [sflag:s13], $0x2000  }
0x95: {  	[sflag:s13] =	ssyncset.done $0x0  }
0x96: {  	[sflag:s13] =	ssyncadd.s32 $0xFFFFE000  }
0x97: {  	[hbm4b:s5+s1] =	stream.linear.scatter [tilespmem:s12], [sflag:$0x2], $0x2000, $0x38;
	[tilespmem:$0x12148] =	vst v63  }
0x98: {  	_ =	swait.ge [sflag:s13], $0x2000  }
0x99: {  	[sflag:s13] =	ssyncset.done $0x0  }
0x9a: {  	[sflag:s13] =	ssyncadd.s32 $0xFFFFE000  }
0x9b: {  	[hbm4b:s4+s1] =	stream.linear.scatter [tilespmem:s10], [sflag:$0x2], $0x2000, $0x38;
	[tilespmem:$0x12148] =	vst v63  }
0x9c: {  	_ =	swait.ge [sflag:s13], $0x2000  }
0x9d: {  	[sflag:s13] =	ssyncset.done $0x0  }
0x9e: {  	[sflag:s13] =	ssyncadd.s32 $0xFFFFE000  }
0x9f: {  	[hbm4b:s2+s1] =	stream.linear.scatter [tilespmem:s11], [sflag:$0x2], $0x2000, $0x38;
	[tilespmem:$0x12148] =	vst v63  }
0xa0: {  	_ =	swait.ge [sflag:s3], $0x2000  }
0xa1: {  	[sflag:s3] =	ssyncset.done $0x0  }
0xa2: {  	[sflag:s3] =	ssyncadd.s32 $0xFFFFE000  }
0xa3: {  	_ =	swait.ge [sflag:s3], $0x2000  }
0xa4: {  	[sflag:s3] =	ssyncset.done $0x0  }
0xa5: {  	[sflag:s3] =	ssyncadd.s32 $0xFFFFE000  }
0xa6: {  	_ =	swait.ge [sflag:s3], $0x2000  }
0xa7: {  	[sflag:s3] =	ssyncset.done $0x0  }
0xa8: {  	[sflag:s3] =	ssyncadd.s32 $0xFFFFE000  }
0xa9: {  	_ =	swait.ge [sflag:s3], $0x2000  }
0xaa: {  	[sflag:s3] =	ssyncset.done $0x0  }
0xab: {  	[sflag:s3] =	ssyncadd.s32 $0xFFFFE000  }
0xac: {  	_ =	swait.ge [sflag:s3], $0x2000  }
0xad: {  	[sflag:s3] =	ssyncset.done $0x0  }
0xae: {  	[sflag:s3] =	ssyncadd.s32 $0xFFFFE000  }
0xaf: {  	_ =	swait.ge [sflag:s3], $0x2000  }
0xb0: {  	s31 =	sadd.s32 $0xFFFFFFFF, s31;
	[sflag:s3] =	ssyncset.done $0x0  }
0xb1: {  	p2 =	sne.s32 s31, $0x0;
	[sflag:s3] =	ssyncadd.s32 $0xFFFFE000  }
.Ltmp2:
0xb2: {  	_ =	swait.ge [sflag:s3], $0x2000;
	(pc) =	sbr.rel @p2 .LBB2_3-.Ltmp2, $4  }
0xb3: {  	[sflag:s3] =	ssyncset.done $0x0  }
0xb4: {  	[sflag:s3] =	ssyncadd.s32 $0xFFFFE000  }
0xb5: {  	_ =	swait.ge [sflag:s3], $0x2000  }
0xb6: {  	s0 =	rddreg [dreg:$0x5];
	[sflag:s3] =	ssyncset.done $0x0  }
0xb7: {  	s30 =	rddreg [dreg:$0x4]  }
.LBB2_5:
0xb8: {  	[sflag:s3] =	ssyncadd.s32 @p1 $0xFFFFE000;
	s29 =	simm.s32 @!p0 $0x1C03  }
0xb9: {  	[spmem:s28], [sflag:s29] =	dma.local @!p0 [hbm:s0], $0x3E90  }
0xba: {  	s0 =	simm.s32 @!p0 $0x3  }
0xbb: {  	_ =	swait.ge @!p0 [sflag:s0], $0x3E90  }
0xbc: {  	[sflag:s0] =	ssyncset.done @!p0 $0x0  }
0xbd: {  	s31 =	rddreg [dreg:$0x6];
	[sflag:s0] =	ssyncadd.s32 @!p0 $0xFFFFC170  }
0xbe: {  	[tilespmem:s1], [sflag:$0x3] =	stream.linear.gather [hbm4b:s31+s1], $0x200, $0x38;
	[tilespmem:$0x12148] =	vst v63  }
0xbf: {  	_ =	swait.ge [sflag:s20], $0x200  }
0xc0: {  	[sflag:s20] =	ssyncset.done $0x0  }
0xc1: {  	[sflag:s20] =	ssyncadd.s32 $0xFFFFFE00  }
0xc2: {  	[bflag:$0x0] =	sbarrier.arrive $0xFFFF  }
0xc3: {  	[tilespmem:s18], [sflag:$0x1] =	stream.indirect.gather [spmem:s7], $0x80, s1, s19, $0xb8;
	[tilespmem:$0x12148] =	vst v63  }
0xc4: {  	_ = 	snop  }
0xc5: {  	[tilespmem:s17], [sflag:$0x1] =	stream.indirect.gather [spmem:s7], $0x80, s19, s19, $0xb8;
	[tilespmem:$0x12148] =	vst v63  }
0xc6: {  	_ = 	snop  }
0xc7: {  	[tilespmem:s16], [sflag:$0x1] =	stream.indirect.gather [spmem:s7], $0x80, s21, s19, $0xb8;
	[tilespmem:$0x12148] =	vst v63  }
0xc8: {  	_ = 	snop  }
0xc9: {  	[tilespmem:s15], [sflag:$0x1] =	stream.indirect.gather [spmem:s7], $0x80, s22, s19, $0xb8;
	[tilespmem:$0x12148] =	vst v63  }
0xca: {  	_ = 	snop  }
0xcb: {  	[tilespmem:s14], [sflag:$0x1] =	stream.indirect.gather [spmem:s7], $0x80, s23, s19, $0xb8;
	[tilespmem:$0x12148] =	vst v63  }
0xcc: {  	_ = 	snop  }
0xcd: {  	[tilespmem:s12], [sflag:$0x1] =	stream.indirect.gather [spmem:s7], $0x80, s24, s19, $0xb8;
	[tilespmem:$0x12148] =	vst v63  }
0xce: {  	_ = 	snop  }
0xcf: {  	[tilespmem:s10], [sflag:$0x1] =	stream.indirect.gather [spmem:s7], $0x80, s25, s19, $0xb8;
	[tilespmem:$0x12148] =	vst v63  }
0xd0: {  	_ = 	snop  }
0xd1: {  	[tilespmem:s11], [sflag:$0x1] =	stream.indirect.gather [spmem:s7], $0x80, s26, s19, $0xb8;
	[tilespmem:$0x12148] =	vst v63  }
0xd2: {  	_ =	swait.ge [sflag:s13], $0x2000  }
0xd3: {  	[sflag:s13] =	ssyncset.done $0x0  }
0xd4: {  	[sflag:s13] =	ssyncadd.s32 $0xFFFFE000  }
0xd5: {  	[hbm4b:s9+s1] =	stream.linear.scatter [tilespmem:s18], [sflag:$0x2], $0x2000, $0x38;
	[tilespmem:$0x12148] =	vst v63  }
0xd6: {  	_ =	swait.ge [sflag:s13], $0x2000  }
0xd7: {  	[sflag:s13] =	ssyncset.done $0x0  }
0xd8: {  	s29 =	rddreg [dreg:$0x7];
	[sflag:s13] =	ssyncadd.s32 $0xFFFFE000  }
0xd9: {  	[hbm4b:s29+s1] =	stream.linear.scatter [tilespmem:s17], [sflag:$0x2], $0x2000, $0x38;
	[tilespmem:$0x12148] =	vst v63  }
0xda: {  	_ =	swait.ge [sflag:s13], $0x2000  }
0xdb: {  	[sflag:s13] =	ssyncset.done $0x0  }
0xdc: {  	s31 =	rddreg [dreg:$0x8];
	[sflag:s13] =	ssyncadd.s32 $0xFFFFE000  }
0xdd: {  	[hbm4b:s31+s1] =	stream.linear.scatter [tilespmem:s16], [sflag:$0x2], $0x2000, $0x38;
	[tilespmem:$0x12148] =	vst v63  }
0xde: {  	_ =	swait.ge [sflag:s13], $0x2000  }
0xdf: {  	[sflag:s13] =	ssyncset.done $0x0  }
0xe0: {  	[sflag:s13] =	ssyncadd.s32 $0xFFFFE000  }
0xe1: {  	[hbm4b:s8+s1] =	stream.linear.scatter [tilespmem:s15], [sflag:$0x2], $0x2000, $0x38;
	[tilespmem:$0x12148] =	vst v63  }
0xe2: {  	_ =	swait.ge [sflag:s13], $0x2000  }
0xe3: {  	[sflag:s13] =	ssyncset.done $0x0  }
0xe4: {  	[sflag:s13] =	ssyncadd.s32 $0xFFFFE000  }
0xe5: {  	[hbm4b:s6+s1] =	stream.linear.scatter [tilespmem:s14], [sflag:$0x2], $0x2000, $0x38;
	[tilespmem:$0x12148] =	vst v63  }
0xe6: {  	_ =	swait.ge [sflag:s13], $0x2000  }
0xe7: {  	[sflag:s13] =	ssyncset.done $0x0  }
0xe8: {  	[sflag:s13] =	ssyncadd.s32 $0xFFFFE000  }
0xe9: {  	[hbm4b:s5+s1] =	stream.linear.scatter [tilespmem:s12], [sflag:$0x2], $0x2000, $0x38;
	[tilespmem:$0x12148] =	vst v63  }
0xea: {  	_ =	swait.ge [sflag:s13], $0x2000  }
0xeb: {  	[sflag:s13] =	ssyncset.done $0x0  }
0xec: {  	[sflag:s13] =	ssyncadd.s32 $0xFFFFE000  }
0xed: {  	[hbm4b:s4+s1] =	stream.linear.scatter [tilespmem:s10], [sflag:$0x2], $0x2000, $0x38;
	[tilespmem:$0x12148] =	vst v63  }
0xee: {  	_ =	swait.ge [sflag:s13], $0x2000  }
0xef: {  	[sflag:s13] =	ssyncset.done $0x0  }
0xf0: {  	[sflag:s13] =	ssyncadd.s32 $0xFFFFE000  }
0xf1: {  	[hbm4b:s2+s1] =	stream.linear.scatter [tilespmem:s11], [sflag:$0x2], $0x2000, $0x38;
	[tilespmem:$0x12148] =	vst v63  }
0xf2: {  	_ =	swait.ge [sflag:s3], $0x2000  }
0xf3: {  	[sflag:s3] =	ssyncset.done $0x0  }
0xf4: {  	[sflag:s3] =	ssyncadd.s32 $0xFFFFE000  }
0xf5: {  	_ =	swait.ge [sflag:s3], $0x2000  }
0xf6: {  	[sflag:s3] =	ssyncset.done $0x0  }
0xf7: {  	[sflag:s3] =	ssyncadd.s32 $0xFFFFE000  }
0xf8: {  	_ =	swait.ge [sflag:s3], $0x2000  }
0xf9: {  	[sflag:s3] =	ssyncset.done $0x0  }
0xfa: {  	[sflag:s3] =	ssyncadd.s32 $0xFFFFE000  }
0xfb: {  	_ =	swait.ge [sflag:s3], $0x2000  }
0xfc: {  	[sflag:s3] =	ssyncset.done $0x0  }
0xfd: {  	[sflag:s3] =	ssyncadd.s32 $0xFFFFE000  }
0xfe: {  	_ =	swait.ge [sflag:s3], $0x2000  }
0xff: {  	[sflag:s3] =	ssyncset.done $0x0  }
0x100: {  	[sflag:s3] =	ssyncadd.s32 $0xFFFFE000  }
0x101: {  	_ =	swait.ge [sflag:s3], $0x2000  }
0x102: {  	[sflag:s3] =	ssyncset.done $0x0  }
0x103: {  	[sflag:s3] =	ssyncadd.s32 $0xFFFFE000  }
0x104: {  	_ =	swait.ge [sflag:s3], $0x2000  }
0x105: {  	[sflag:s3] =	ssyncset.done $0x0  }
0x106: {  	[sflag:s3] =	ssyncadd.s32 $0xFFFFE000  }
0x107: {  	_ =	swait.ge [sflag:s3], $0x2000  }
0x108: {  	[sflag:s3] =	ssyncset.done $0x0  }
0x109: {  	[sflag:s3] =	ssyncadd.s32 $0xFFFFE000  }
0x10a: {  	_ =	sfence.sel $0x180000  }
0x10b: {  	[bflag:$0x0] =	sbarrier.arrive $0xFFFF  }
0x10c: {  	_ =	strace $0x90000047  }
0x10d: {  	s0 =	sadd.s32 @!p0 $0x100000, s30;
	[bflag:$0x2] =	sbarrier.arrive $0xFFFF  }
0x10e: {  	[sflag:s0] =	ssyncadd.tile.s32 @!p0 $0x1;
	_ =	shalt  }
.LBB2_2:
.Ltmp3:
0x10f: {  	(pc) =	sbr.rel .LBB2_5-.Ltmp3, $2  }
0x110: {  	_ =	sdelay $0x2  }
0x111: {  	s30 =	rddreg [dreg:$0x4]  }
.Lfunc_end2:
_tile_overlayer_lowered:
.L_overlay_start_2:
0x112: {  	(tag) =	ssettag $0x2  }
0x113: {  	s0 =	rddreg [dreg:$0x0];
	s2 =	stileid.u32  }
0x114: {  	s1 =	rddreg [dreg:$0x1];
	p0 =	sne.s32 s2, $0x0  }
0x115: {  	s3 =	rddreg [dreg:$0x2];
	[bflag:$0x3] =	sbarrier.arrive $0xFFFF;
	s2 =	simm.s32 @!p0 $0x1C03  }
0x116: {  	[timem:s3], [sflag:s2] =	dma.local @!p0 [hbm:s0], s1  }
0x117: {  	s0 =	simm.s32 @!p0 $0x3  }
0x118: {  	_ =	swait.ge @!p0 [sflag:s0], s1  }
0x119: {  	s1 =	ssub.s32 @!p0 $0x0, s1;
	[sflag:s0] =	ssyncset.done @!p0 $0x0  }
0x11a: {  	[sflag:s0] =	ssyncadd.s32 @!p0 s1  }
0x11b: {  	[bflag:$0x3] =	sbarrier.arrive $0xFFFF  }
0x11c: {  	_ =	shalt  }

</sc_bundles>
